<compile_context>
chip_gen: v7x
topology: tpu7x:2x2x1
jax: 0.10.2.dev20260603
libtpu: 0.0.44.dev20260713+nightly
codegen_flags: <defaults>
</compile_context>

<pallas_src>
import functools

import jax
import jax.numpy as jnp
from jax import lax
from jax.experimental import pallas as pl
from jax.experimental.pallas import tpu as pltpu
from jax.experimental.pallas import tpu_sc as plsc

NC = 2
NS = 16
NW = NC * NS
LANES = 16
CHUNK = 80


def _edge_dot_sc(x_src, x_dst, src_idx, dst_idx):
    (e_total,) = src_idx.shape
    d = x_src.shape[1]
    assert e_total % (NW * CHUNK) == 0 and d % LANES == 0
    per_w = e_total // NW
    n_chunks = per_w // CHUNK

    mesh = plsc.VectorSubcoreMesh(
        core_axis_name="c", subcore_axis_name="s",
        num_cores=NC, num_subcores=NS)

    @functools.partial(
        pl.kernel,
        out_type=jax.ShapeDtypeStruct((e_total,), jnp.float32),
        mesh=mesh,
        compiler_params=pltpu.CompilerParams(
            needs_layout_passes=False, use_tc_tiling_on_sc=False),
        scratch_types=[
            pltpu.VMEM((per_w,), jnp.int32),
            pltpu.VMEM((per_w,), jnp.int32),
            pltpu.VMEM((CHUNK, d), jnp.int32),
            pltpu.VMEM((CHUNK, d), jnp.int32),
            pltpu.VMEM((CHUNK, d), jnp.int32),
            pltpu.VMEM((CHUNK, d), jnp.int32),
            pltpu.VMEM((per_w,), jnp.float32),
            pltpu.SemaphoreType.DMA,
            pltpu.SemaphoreType.DMA,
        ],
    )
    def k(xs_hbm, xd_hbm, si_hbm, di_hbm, out_hbm,
          sidx, didx, srows0, srows1, drows0, drows1, outv, sem0, sem1):
        wid = lax.axis_index("s") * NC + lax.axis_index("c")
        wbase = wid * per_w
        bufs = ((srows0, drows0, sem0), (srows1, drows1, sem1))
        lane = lax.iota(jnp.int32, LANES)

        pltpu.sync_copy(si_hbm.at[pl.ds(wbase, per_w)], sidx)
        pltpu.sync_copy(di_hbm.at[pl.ds(wbase, per_w)], didx)

        def issue(c, b):
            sr, dr, sem = bufs[b]
            pltpu.async_copy(xs_hbm.at[sidx.at[pl.ds(c * CHUNK, CHUNK)]],
                             sr, sem)
            pltpu.async_copy(xd_hbm.at[didx.at[pl.ds(c * CHUNK, CHUNK)]],
                             dr, sem)

        def drain(b):
            sr, dr, sem = bufs[b]
            pltpu.make_async_copy(xs_hbm.at[pl.ds(0, CHUNK)], sr, sem).wait()
            pltpu.make_async_copy(xd_hbm.at[pl.ds(0, CHUNK)], dr, sem).wait()

        def compute(c, b):
            sr, dr, _ = bufs[b]
            EU = 4

            def group_body(g, _):
                def sub_body(q, vec):
                    tots = []
                    for k in range(EU):
                        e = g * LANES + q * EU + k
                        acc = None
                        for j in range(d // LANES):
                            s = plsc.bitcast(
                                sr[e, pl.ds(j * LANES, LANES)], jnp.bfloat16)
                            t = plsc.bitcast(
                                dr[e, pl.ds(j * LANES, LANES)], jnp.bfloat16)
                            lo, hi = plsc.unpack(
                                s * t, format=plsc.PackFormat.INTERLEAVED)
                            ph = lo + hi
                            acc = ph if acc is None else acc + ph
                        tots.append(jnp.sum(acc))
                    for k in range(EU):
                        vec = jnp.where(lane == q * EU + k, tots[k], vec)
                    return vec

                vec = lax.fori_loop(0, LANES // EU, sub_body,
                                    jnp.zeros((LANES,), jnp.float32))
                outv[pl.ds(c * CHUNK + g * LANES, LANES)] = vec
                return 0

            lax.fori_loop(0, CHUNK // LANES, group_body, 0)

        issue(0, 0)
        issue(1, 1)

        def pair_body(i, _):
            for b in range(2):
                c = 2 * i + b
                drain(b)
                compute(c, b)

                @pl.when(c + 2 < n_chunks)
                def _():
                    issue(c + 2, b)
            return 0

        lax.fori_loop(0, n_chunks // 2, pair_body, 0)
        pltpu.sync_copy(outv, out_hbm.at[pl.ds(wbase, per_w)])

    return k(x_src, x_dst, src_idx, dst_idx)


def kernel(x_src, x_dst, edge_index):
    e = edge_index.shape[1]
    nkey = jax.random.key(42)
    nk1, nk2 = jax.random.split(nkey)
    nsrc = jax.random.randint(nk1, (e,), 0, x_src.shape[0], dtype=jnp.int32)
    ndst = jax.random.randint(nk2, (e,), 0, x_dst.shape[0], dtype=jnp.int32)

    src_all = jnp.concatenate([edge_index[0].astype(jnp.int32), nsrc])
    dst_all = jnp.concatenate([edge_index[1].astype(jnp.int32), ndst])

    def to_words(x):
        h = x.shape[1] // 2
        u = lax.bitcast_convert_type(x.astype(jnp.bfloat16), jnp.uint16)
        return (u[:, :h].astype(jnp.uint32)
                | (u[:, h:].astype(jnp.uint32) << 16)).astype(jnp.int32)

    scores = _edge_dot_sc(to_words(x_src), to_words(x_dst), src_all, dst_all)
    return scores[:e], scores[e:]

# --- scband reference (transcript-rebuilt; emitter-appended) ---
"""Pipeline reference for scband-relation-decoder-51041391345811 (READ-ONLY COPY).

The authoritative reference and input builder live on the scoring server;
editing this copy changes nothing except your own understanding.
"""

import jax, jax.numpy as jnp
import numpy as np


def setup_inputs(seed: int = 0) -> dict:
    key = jax.random.key(seed)
    k1, k2, k3 = jax.random.split(key, 3)
    x_src = jax.random.normal(k1, (10000, 128), dtype=jnp.float32)
    x_dst = jax.random.normal(k2, (10000, 128), dtype=jnp.float32)
    edge_index = jax.random.randint(k3, (2, 320000), 0, 10000, dtype=jnp.int64)
    return {"x_src": x_src, "x_dst": x_dst, "edge_index": edge_index}


def reference(x_src, x_dst, edge_index):
    # mode='dot' (use_mlp=False): score = sum(xs * xd, axis=-1)
    src = edge_index[0]
    dst = edge_index[1]
    # positive scores: gather rows then elementwise dot
    pos = jnp.sum(jnp.take(x_src, src, axis=0) * jnp.take(x_dst, dst, axis=0), axis=-1)
    # negative_sampling: sample num_neg_samples = E random (src, dst) pairs
    # over the bipartite node sets (faithful to uniform negative sampling;
    # collision-with-positive probability is negligible at this density)
    nkey = jax.random.key(42)
    nk1, nk2 = jax.random.split(nkey)
    nsrc = jax.random.randint(nk1, (src.shape[0],), 0, x_src.shape[0], dtype=jnp.int64)
    ndst = jax.random.randint(nk2, (dst.shape[0],), 0, x_dst.shape[0], dtype=jnp.int64)
    neg = jnp.sum(jnp.take(x_src, nsrc, axis=0) * jnp.take(x_dst, ndst, axis=0), axis=-1)
    return (pos, neg)

if __name__ == "__main__":
    import jax
    _d = setup_inputs()
    print(jax.jit(kernel)(*tuple(_d.values())))

</pallas_src>

<mosaic_0001>
#map = affine_map<(d0, d1) -> (0, 0)>
#map1 = affine_map<(d0, d1) -> (0)>
module attributes {stable_mosaic.version = 14 : i64} {
  func.func @k(%arg0: i32, %arg1: i32, %arg2: memref<10000x64xi32, #tpu.memory_space<hbm>>, %arg3: memref<10000x64xi32, #tpu.memory_space<hbm>>, %arg4: memref<640000xi32, #tpu.memory_space<hbm>>, %arg5: memref<640000xi32, #tpu.memory_space<hbm>>, %arg6: memref<640000xf32, #tpu.memory_space<hbm>>, %arg7: memref<20000xi32, #tpu.memory_space<vmem>>, %arg8: memref<20000xi32, #tpu.memory_space<vmem>>, %arg9: memref<80x64xi32, #tpu.memory_space<vmem>>, %arg10: memref<80x64xi32, #tpu.memory_space<vmem>>, %arg11: memref<80x64xi32, #tpu.memory_space<vmem>>, %arg12: memref<80x64xi32, #tpu.memory_space<vmem>>, %arg13: memref<20000xf32, #tpu.memory_space<vmem>>, %arg14: memref<!tpu.dma_semaphore, #tpu.memory_space<semaphore_mem>>, %arg15: memref<!tpu.dma_semaphore, #tpu.memory_space<semaphore_mem>>) attributes {dimension_semantics = [#tpu.dimension_semantics<core_parallel>, #tpu.dimension_semantics<subcore_parallel>], iteration_bounds = array<i64: 2, 16>, scalar_prefetch = 0 : i64, scratch_operands = 9 : i64, tpu.core_type = #tpu.core_type<sc_vector_subcore>, window_params = [{transform_indices = #map}, {transform_indices = #map}, {transform_indices = #map1}, {transform_indices = #map1}, {transform_indices = #map1}]} {
    %mul3A = arith.constant 2 : i32
    %mul3A_0 = arith.muli %arg1, %mul3A : i32
    %add3A = arith.addi %mul3A_0, %arg0 : i32
    %mul3A_1 = arith.constant 20000 : i32
    %mul3A_2 = arith.muli %add3A, %mul3A_1 : i32
    %iota3A = tpu.iota {dimensions = array<i32: 0>} : vector<16xi32>
    "tpu.region"() ({
      %run_scoped3A = tpu.sem_alloc : memref<!tpu.dma_semaphore, #tpu.memory_space<semaphore_mem>>
      %dma_start3A_28 = tpu.memref_slice %arg4[%mul3A_2] : memref<640000xi32, #tpu.memory_space<hbm>> -> memref<20000xi32, #tpu.memory_space<hbm>>
      %dma_start3A_29 = tpu.memref_slice %arg4[%mul3A_2] : memref<640000xi32, #tpu.memory_space<hbm>> -> memref<20000xi32, #tpu.memory_space<hbm>>
      tpu.enqueue_dma source(%dma_start3A_29 : memref<20000xi32, #tpu.memory_space<hbm>>) target(%arg7 : memref<20000xi32, #tpu.memory_space<vmem>>) target_semaphore(%run_scoped3A : memref<!tpu.dma_semaphore, #tpu.memory_space<semaphore_mem>>)
      %dma_wait3A = tpu.memref_slice %arg4[%mul3A_2] : memref<640000xi32, #tpu.memory_space<hbm>> -> memref<20000xi32, #tpu.memory_space<hbm>>
      %dma_wait3A_30 = tpu.memref_slice %arg4[%mul3A_2] : memref<640000xi32, #tpu.memory_space<hbm>> -> memref<20000xi32, #tpu.memory_space<hbm>>
      tpu.wait_dma2 semaphore(%run_scoped3A : memref<!tpu.dma_semaphore, #tpu.memory_space<semaphore_mem>>) src(%dma_wait3A_30 : memref<20000xi32, #tpu.memory_space<hbm>>) dst(%arg7 : memref<20000xi32, #tpu.memory_space<vmem>>)
      tpu.yield
    }) : () -> ()
    "tpu.region"() ({
      %run_scoped3A = tpu.sem_alloc : memref<!tpu.dma_semaphore, #tpu.memory_space<semaphore_mem>>
      %dma_start3A_28 = tpu.memref_slice %arg5[%mul3A_2] : memref<640000xi32, #tpu.memory_space<hbm>> -> memref<20000xi32, #tpu.memory_space<hbm>>
      %dma_start3A_29 = tpu.memref_slice %arg5[%mul3A_2] : memref<640000xi32, #tpu.memory_space<hbm>> -> memref<20000xi32, #tpu.memory_space<hbm>>
      tpu.enqueue_dma source(%dma_start3A_29 : memref<20000xi32, #tpu.memory_space<hbm>>) target(%arg8 : memref<20000xi32, #tpu.memory_space<vmem>>) target_semaphore(%run_scoped3A : memref<!tpu.dma_semaphore, #tpu.memory_space<semaphore_mem>>)
      %dma_wait3A = tpu.memref_slice %arg5[%mul3A_2] : memref<640000xi32, #tpu.memory_space<hbm>> -> memref<20000xi32, #tpu.memory_space<hbm>>
      %dma_wait3A_30 = tpu.memref_slice %arg5[%mul3A_2] : memref<640000xi32, #tpu.memory_space<hbm>> -> memref<20000xi32, #tpu.memory_space<hbm>>
      tpu.wait_dma2 semaphore(%run_scoped3A : memref<!tpu.dma_semaphore, #tpu.memory_space<semaphore_mem>>) src(%dma_wait3A_30 : memref<20000xi32, #tpu.memory_space<hbm>>) dst(%arg8 : memref<20000xi32, #tpu.memory_space<vmem>>)
      tpu.yield
    }) : () -> ()
    %dma_start3A = arith.constant 0 : i32
    %dma_start3A_3 = tpu.memref_slice %arg7[%dma_start3A] : memref<20000xi32, #tpu.memory_space<vmem>> -> memref<80xi32, #tpu.memory_space<vmem>>
    %dma_start3A_4 = arith.constant 0 : i32
    %dma_start3A_5 = arith.constant 0 : i32
    %dma_start3A_6 = tpu.memref_slice %arg2[%dma_start3A_4, %dma_start3A_5] : memref<10000x64xi32, #tpu.memory_space<hbm>> -> memref<10000x64xi32, #tpu.memory_space<hbm>>
    tpu.enqueue_indirect_dma source(%dma_start3A_6 : memref<10000x64xi32, #tpu.memory_space<hbm>>) target(%arg9 : memref<80x64xi32, #tpu.memory_space<vmem>>) offsets(%dma_start3A_3 : memref<80xi32, #tpu.memory_space<vmem>>) semaphore(%arg14 : memref<!tpu.dma_semaphore, #tpu.memory_space<semaphore_mem>>)
    %dma_start3A_7 = arith.constant 0 : i32
    %dma_start3A_8 = tpu.memref_slice %arg8[%dma_start3A_7] : memref<20000xi32, #tpu.memory_space<vmem>> -> memref<80xi32, #tpu.memory_space<vmem>>
    %dma_start3A_9 = arith.constant 0 : i32
    %dma_start3A_10 = arith.constant 0 : i32
    %dma_start3A_11 = tpu.memref_slice %arg3[%dma_start3A_9, %dma_start3A_10] : memref<10000x64xi32, #tpu.memory_space<hbm>> -> memref<10000x64xi32, #tpu.memory_space<hbm>>
    tpu.enqueue_indirect_dma source(%dma_start3A_11 : memref<10000x64xi32, #tpu.memory_space<hbm>>) target(%arg11 : memref<80x64xi32, #tpu.memory_space<vmem>>) offsets(%dma_start3A_8 : memref<80xi32, #tpu.memory_space<vmem>>) semaphore(%arg14 : memref<!tpu.dma_semaphore, #tpu.memory_space<semaphore_mem>>)
    %dma_start3A_12 = arith.constant 80 : i32
    %dma_start3A_13 = tpu.memref_slice %arg7[%dma_start3A_12] : memref<20000xi32, #tpu.memory_space<vmem>> -> memref<80xi32, #tpu.memory_space<vmem>>
    %dma_start3A_14 = arith.constant 0 : i32
    %dma_start3A_15 = arith.constant 0 : i32
    %dma_start3A_16 = tpu.memref_slice %arg2[%dma_start3A_14, %dma_start3A_15] : memref<10000x64xi32, #tpu.memory_space<hbm>> -> memref<10000x64xi32, #tpu.memory_space<hbm>>
    tpu.enqueue_indirect_dma source(%dma_start3A_16 : memref<10000x64xi32, #tpu.memory_space<hbm>>) target(%arg10 : memref<80x64xi32, #tpu.memory_space<vmem>>) offsets(%dma_start3A_13 : memref<80xi32, #tpu.memory_space<vmem>>) semaphore(%arg15 : memref<!tpu.dma_semaphore, #tpu.memory_space<semaphore_mem>>)
    %dma_start3A_17 = arith.constant 80 : i32
    %dma_start3A_18 = tpu.memref_slice %arg8[%dma_start3A_17] : memref<20000xi32, #tpu.memory_space<vmem>> -> memref<80xi32, #tpu.memory_space<vmem>>
    %dma_start3A_19 = arith.constant 0 : i32
    %dma_start3A_20 = arith.constant 0 : i32
    %dma_start3A_21 = tpu.memref_slice %arg3[%dma_start3A_19, %dma_start3A_20] : memref<10000x64xi32, #tpu.memory_space<hbm>> -> memref<10000x64xi32, #tpu.memory_space<hbm>>
    tpu.enqueue_indirect_dma source(%dma_start3A_21 : memref<10000x64xi32, #tpu.memory_space<hbm>>) target(%arg12 : memref<80x64xi32, #tpu.memory_space<vmem>>) offsets(%dma_start3A_18 : memref<80xi32, #tpu.memory_space<vmem>>) semaphore(%arg15 : memref<!tpu.dma_semaphore, #tpu.memory_space<semaphore_mem>>)
    %scan3A = arith.constant 0 : i32
    %scan3A_22 = arith.constant 0 : i32
    %scan3A_23 = arith.constant 125 : i32
    %scan3A_24 = arith.addi %scan3A_22, %scan3A_23 : i32
    %scan3A_25 = arith.constant 1 : i32
    %scan3A_26 = scf.for %scan3A_28 = %scan3A_22 to %scan3A_24 step %scan3A_25 iter_args(%scan3A_29 = %scan3A) -> (i32)  : i32 {
      %mul3A_30 = arith.constant 2 : i32
      %mul3A_31 = arith.muli %mul3A_30, %scan3A_28 : i32
      %add3A_32 = arith.constant 0 : i32
      %add3A_33 = arith.addi %mul3A_31, %add3A_32 : i32
      %dma_wait3A = arith.constant 0 : i32
      %dma_wait3A_34 = arith.constant 0 : i32
      %dma_wait3A_35 = tpu.memref_slice %arg2[%dma_wait3A, %dma_wait3A_34] : memref<10000x64xi32, #tpu.memory_space<hbm>> -> memref<80x64xi32, #tpu.memory_space<hbm>>
      %dma_wait3A_36 = arith.constant 0 : i32
      %dma_wait3A_37 = arith.constant 0 : i32
      %dma_wait3A_38 = tpu.memref_slice %arg2[%dma_wait3A_36, %dma_wait3A_37] : memref<10000x64xi32, #tpu.memory_space<hbm>> -> memref<80x64xi32, #tpu.memory_space<hbm>>
      tpu.wait_dma2 semaphore(%arg14 : memref<!tpu.dma_semaphore, #tpu.memory_space<semaphore_mem>>) src(%dma_wait3A_38 : memref<80x64xi32, #tpu.memory_space<hbm>>) dst(%arg9 : memref<80x64xi32, #tpu.memory_space<vmem>>)
      %dma_wait3A_39 = arith.constant 0 : i32
      %dma_wait3A_40 = arith.constant 0 : i32
      %dma_wait3A_41 = tpu.memref_slice %arg3[%dma_wait3A_39, %dma_wait3A_40] : memref<10000x64xi32, #tpu.memory_space<hbm>> -> memref<80x64xi32, #tpu.memory_space<hbm>>
      %dma_wait3A_42 = arith.constant 0 : i32
      %dma_wait3A_43 = arith.constant 0 : i32
      %dma_wait3A_44 = tpu.memref_slice %arg3[%dma_wait3A_42, %dma_wait3A_43] : memref<10000x64xi32, #tpu.memory_space<hbm>> -> memref<80x64xi32, #tpu.memory_space<hbm>>
      tpu.wait_dma2 semaphore(%arg14 : memref<!tpu.dma_semaphore, #tpu.memory_space<semaphore_mem>>) src(%dma_wait3A_44 : memref<80x64xi32, #tpu.memory_space<hbm>>) dst(%arg11 : memref<80x64xi32, #tpu.memory_space<vmem>>)
      %scan3A_45 = arith.constant 0 : i32
      %scan3A_46 = arith.constant 0 : i32
      %scan3A_47 = arith.constant 5 : i32
      %scan3A_48 = arith.addi %scan3A_46, %scan3A_47 : i32
      %scan3A_49 = arith.constant 1 : i32
      %scan3A_50 = scf.for %scan3A_87 = %scan3A_46 to %scan3A_48 step %scan3A_49 iter_args(%scan3A_88 = %scan3A_45) -> (i32)  : i32 {
        %broadcast_in_dim3A = arith.constant 0.000000e+00 : f32
        %broadcast_in_dim3A_89 = vector.broadcast %broadcast_in_dim3A : f32 to vector<16xf32>
        %scan3A_90 = arith.constant 0 : i32
        %scan3A_91 = arith.constant 4 : i32
        %scan3A_92 = arith.addi %scan3A_90, %scan3A_91 : i32
        %scan3A_93 = arith.constant 1 : i32
        %scan3A_94 = scf.for %scan3A_103 = %scan3A_90 to %scan3A_92 step %scan3A_93 iter_args(%scan3A_104 = %broadcast_in_dim3A_89) -> (vector<16xf32>)  : i32 {
          %mul3A_105 = arith.constant 16 : i32
          %mul3A_106 = arith.muli %scan3A_87, %mul3A_105 : i32
          %mul3A_107 = arith.constant 4 : i32
          %mul3A_108 = arith.muli %scan3A_103, %mul3A_107 : i32
          %add3A_109 = arith.addi %mul3A_106, %mul3A_108 : i32
          %add3A_110 = arith.constant 0 : i32
          %add3A_111 = arith.addi %add3A_109, %add3A_110 : i32
          %get3A = arith.index_cast %add3A_111 : i32 to index
          %get3A_112 = arith.constant 0 : index
          %get3A_113 = tpu.vector_load %arg9[%get3A, %get3A_112] {strides = array<i32>} : memref<80x64xi32, #tpu.memory_space<vmem>>, vector<16xi32>,
          %bitcast3A = vector.bitcast %get3A_113 : vector<16xi32> to vector<32xbf16>
          %get3A_114 = arith.index_cast %add3A_111 : i32 to index
          %get3A_115 = arith.constant 0 : index
          %get3A_116 = tpu.vector_load %arg11[%get3A_114, %get3A_115] {strides = array<i32>} : memref<80x64xi32, #tpu.memory_space<vmem>>, vector<16xi32>,
          %bitcast3A_117 = vector.bitcast %get3A_116 : vector<16xi32> to vector<32xbf16>
          %mul3A_118 = arith.mulf %bitcast3A, %bitcast3A_117 : vector<32xbf16>
          %unpack3A = tpu.unpack_subelements %mul3A_118, 0 {pack_format = #tpu.pack_format<interleaved>} : vector<32xbf16> -> vector<16xf32>
          %unpack3A_119 = tpu.unpack_subelements %mul3A_118, 1 {pack_format = #tpu.pack_format<interleaved>} : vector<32xbf16> -> vector<16xf32>
          %add3A_120 = arith.addf %unpack3A, %unpack3A_119 : vector<16xf32>
          %get3A_121 = arith.index_cast %add3A_111 : i32 to index
          %get3A_122 = arith.constant 16 : index
          %get3A_123 = tpu.vector_load %arg9[%get3A_121, %get3A_122] {strides = array<i32>} : memref<80x64xi32, #tpu.memory_space<vmem>>, vector<16xi32>,
          %bitcast3A_124 = vector.bitcast %get3A_123 : vector<16xi32> to vector<32xbf16>
          %get3A_125 = arith.index_cast %add3A_111 : i32 to index
          %get3A_126 = arith.constant 16 : index
          %get3A_127 = tpu.vector_load %arg11[%get3A_125, %get3A_126] {strides = array<i32>} : memref<80x64xi32, #tpu.memory_space<vmem>>, vector<16xi32>,
          %bitcast3A_128 = vector.bitcast %get3A_127 : vector<16xi32> to vector<32xbf16>
          %mul3A_129 = arith.mulf %bitcast3A_124, %bitcast3A_128 : vector<32xbf16>
          %unpack3A_130 = tpu.unpack_subelements %mul3A_129, 0 {pack_format = #tpu.pack_format<interleaved>} : vector<32xbf16> -> vector<16xf32>
          %unpack3A_131 = tpu.unpack_subelements %mul3A_129, 1 {pack_format = #tpu.pack_format<interleaved>} : vector<32xbf16> -> vector<16xf32>
          %add3A_132 = arith.addf %unpack3A_130, %unpack3A_131 : vector<16xf32>
          %add3A_133 = arith.addf %add3A_120, %add3A_132 : vector<16xf32>
          %get3A_134 = arith.index_cast %add3A_111 : i32 to index
          %get3A_135 = arith.constant 32 : index
          %get3A_136 = tpu.vector_load %arg9[%get3A_134, %get3A_135] {strides = array<i32>} : memref<80x64xi32, #tpu.memory_space<vmem>>, vector<16xi32>,
          %bitcast3A_137 = vector.bitcast %get3A_136 : vector<16xi32> to vector<32xbf16>
          %get3A_138 = arith.index_cast %add3A_111 : i32 to index
          %get3A_139 = arith.constant 32 : index
          %get3A_140 = tpu.vector_load %arg11[%get3A_138, %get3A_139] {strides = array<i32>} : memref<80x64xi32, #tpu.memory_space<vmem>>, vector<16xi32>,
          %bitcast3A_141 = vector.bitcast %get3A_140 : vector<16xi32> to vector<32xbf16>
          %mul3A_142 = arith.mulf %bitcast3A_137, %bitcast3A_141 : vector<32xbf16>
          %unpack3A_143 = tpu.unpack_subelements %mul3A_142, 0 {pack_format = #tpu.pack_format<interleaved>} : vector<32xbf16> -> vector<16xf32>
          %unpack3A_144 = tpu.unpack_subelements %mul3A_142, 1 {pack_format = #tpu.pack_format<interleaved>} : vector<32xbf16> -> vector<16xf32>
          %add3A_145 = arith.addf %unpack3A_143, %unpack3A_144 : vector<16xf32>
          %add3A_146 = arith.addf %add3A_133, %add3A_145 : vector<16xf32>
          %get3A_147 = arith.index_cast %add3A_111 : i32 to index
          %get3A_148 = arith.constant 48 : index
          %get3A_149 = tpu.vector_load %arg9[%get3A_147, %get3A_148] {strides = array<i32>} : memref<80x64xi32, #tpu.memory_space<vmem>>, vector<16xi32>,
          %bitcast3A_150 = vector.bitcast %get3A_149 : vector<16xi32> to vector<32xbf16>
          %get3A_151 = arith.index_cast %add3A_111 : i32 to index
          %get3A_152 = arith.constant 48 : index
          %get3A_153 = tpu.vector_load %arg11[%get3A_151, %get3A_152] {strides = array<i32>} : memref<80x64xi32, #tpu.memory_space<vmem>>, vector<16xi32>,
          %bitcast3A_154 = vector.bitcast %get3A_153 : vector<16xi32> to vector<32xbf16>
          %mul3A_155 = arith.mulf %bitcast3A_150, %bitcast3A_154 : vector<32xbf16>
          %unpack3A_156 = tpu.unpack_subelements %mul3A_155, 0 {pack_format = #tpu.pack_format<interleaved>} : vector<32xbf16> -> vector<16xf32>
          %unpack3A_157 = tpu.unpack_subelements %mul3A_155, 1 {pack_format = #tpu.pack_format<interleaved>} : vector<32xbf16> -> vector<16xf32>
          %add3A_158 = arith.addf %unpack3A_156, %unpack3A_157 : vector<16xf32>
          %add3A_159 = arith.addf %add3A_146, %add3A_158 : vector<16xf32>
          %reduce_sum3A = arith.constant true
          %reduce_sum3A_160 = vector.broadcast %reduce_sum3A : i1 to vector<16xi1>
          %reduce_sum3A_161 = tpu.scan <sum>, %add3A_159 masked %reduce_sum3A_160 : vector<16xf32>, vector<16xi1> -> vector<16xf32>
          %reduce_sum3A_162 = vector.extract %reduce_sum3A_161[15] : f32 from vector<16xf32>
          %mul3A_163 = arith.constant 16 : i32
          %mul3A_164 = arith.muli %scan3A_87, %mul3A_163 : i32
          %mul3A_165 = arith.constant 4 : i32
          %mul3A_166 = arith.muli %scan3A_103, %mul3A_165 : i32
          %add3A_167 = arith.addi %mul3A_164, %mul3A_166 : i32
          %add3A_168 = arith.constant 1 : i32
          %add3A_169 = arith.addi %add3A_167, %add3A_168 : i32
          %get3A_170 = arith.index_cast %add3A_169 : i32 to index
          %get3A_171 = arith.constant 0 : index
          %get3A_172 = tpu.vector_load %arg9[%get3A_170, %get3A_171] {strides = array<i32>} : memref<80x64xi32, #tpu.memory_space<vmem>>, vector<16xi32>,
          %bitcast3A_173 = vector.bitcast %get3A_172 : vector<16xi32> to vector<32xbf16>
          %get3A_174 = arith.index_cast %add3A_169 : i32 to index
          %get3A_175 = arith.constant 0 : index
          %get3A_176 = tpu.vector_load %arg11[%get3A_174, %get3A_175] {strides = array<i32>} : memref<80x64xi32, #tpu.memory_space<vmem>>, vector<16xi32>,
          %bitcast3A_177 = vector.bitcast %get3A_176 : vector<16xi32> to vector<32xbf16>
          %mul3A_178 = arith.mulf %bitcast3A_173, %bitcast3A_177 : vector<32xbf16>
          %unpack3A_179 = tpu.unpack_subelements %mul3A_178, 0 {pack_format = #tpu.pack_format<interleaved>} : vector<32xbf16> -> vector<16xf32>
          %unpack3A_180 = tpu.unpack_subelements %mul3A_178, 1 {pack_format = #tpu.pack_format<interleaved>} : vector<32xbf16> -> vector<16xf32>
          %add3A_181 = arith.addf %unpack3A_179, %unpack3A_180 : vector<16xf32>
          %get3A_182 = arith.index_cast %add3A_169 : i32 to index
          %get3A_183 = arith.constant 16 : index
          %get3A_184 = tpu.vector_load %arg9[%get3A_182, %get3A_183] {strides = array<i32>} : memref<80x64xi32, #tpu.memory_space<vmem>>, vector<16xi32>,
          %bitcast3A_185 = vector.bitcast %get3A_184 : vector<16xi32> to vector<32xbf16>
          %get3A_186 = arith.index_cast %add3A_169 : i32 to index
          %get3A_187 = arith.constant 16 : index
          %get3A_188 = tpu.vector_load %arg11[%get3A_186, %get3A_187] {strides = array<i32>} : memref<80x64xi32, #tpu.memory_space<vmem>>, vector<16xi32>,
          %bitcast3A_189 = vector.bitcast %get3A_188 : vector<16xi32> to vector<32xbf16>
          %mul3A_190 = arith.mulf %bitcast3A_185, %bitcast3A_189 : vector<32xbf16>
          %unpack3A_191 = tpu.unpack_subelements %mul3A_190, 0 {pack_format = #tpu.pack_format<interleaved>} : vector<32xbf16> -> vector<16xf32>
          %unpack3A_192 = tpu.unpack_subelements %mul3A_190, 1 {pack_format = #tpu.pack_format<interleaved>} : vector<32xbf16> -> vector<16xf32>
          %add3A_193 = arith.addf %unpack3A_191, %unpack3A_192 : vector<16xf32>
          %add3A_194 = arith.addf %add3A_181, %add3A_193 : vector<16xf32>
          %get3A_195 = arith.index_cast %add3A_169 : i32 to index
          %get3A_196 = arith.constant 32 : index
          %get3A_197 = tpu.vector_load %arg9[%get3A_195, %get3A_196] {strides = array<i32>} : memref<80x64xi32, #tpu.memory_space<vmem>>, vector<16xi32>,
          %bitcast3A_198 = vector.bitcast %get3A_197 : vector<16xi32> to vector<32xbf16>
          %get3A_199 = arith.index_cast %add3A_169 : i32 to index
          %get3A_200 = arith.constant 32 : index
          %get3A_201 = tpu.vector_load %arg11[%get3A_199, %get3A_200] {strides = array<i32>} : memref<80x64xi32, #tpu.memory_space<vmem>>, vector<16xi32>,
          %bitcast3A_202 = vector.bitcast %get3A_201 : vector<16xi32> to vector<32xbf16>
          %mul3A_203 = arith.mulf %bitcast3A_198, %bitcast3A_202 : vector<32xbf16>
          %unpack3A_204 = tpu.unpack_subelements %mul3A_203, 0 {pack_format = #tpu.pack_format<interleaved>} : vector<32xbf16> -> vector<16xf32>
          %unpack3A_205 = tpu.unpack_subelements %mul3A_203, 1 {pack_format = #tpu.pack_format<interleaved>} : vector<32xbf16> -> vector<16xf32>
          %add3A_206 = arith.addf %unpack3A_204, %unpack3A_205 : vector<16xf32>
          %add3A_207 = arith.addf %add3A_194, %add3A_206 : vector<16xf32>
          %get3A_208 = arith.index_cast %add3A_169 : i32 to index
          %get3A_209 = arith.constant 48 : index
          %get3A_210 = tpu.vector_load %arg9[%get3A_208, %get3A_209] {strides = array<i32>} : memref<80x64xi32, #tpu.memory_space<vmem>>, vector<16xi32>,
          %bitcast3A_211 = vector.bitcast %get3A_210 : vector<16xi32> to vector<32xbf16>
          %get3A_212 = arith.index_cast %add3A_169 : i32 to index
          %get3A_213 = arith.constant 48 : index
          %get3A_214 = tpu.vector_load %arg11[%get3A_212, %get3A_213] {strides = array<i32>} : memref<80x64xi32, #tpu.memory_space<vmem>>, vector<16xi32>,
          %bitcast3A_215 = vector.bitcast %get3A_214 : vector<16xi32> to vector<32xbf16>
          %mul3A_216 = arith.mulf %bitcast3A_211, %bitcast3A_215 : vector<32xbf16>
          %unpack3A_217 = tpu.unpack_subelements %mul3A_216, 0 {pack_format = #tpu.pack_format<interleaved>} : vector<32xbf16> -> vector<16xf32>
          %unpack3A_218 = tpu.unpack_subelements %mul3A_216, 1 {pack_format = #tpu.pack_format<interleaved>} : vector<32xbf16> -> vector<16xf32>
          %add3A_219 = arith.addf %unpack3A_217, %unpack3A_218 : vector<16xf32>
          %add3A_220 = arith.addf %add3A_207, %add3A_219 : vector<16xf32>
          %reduce_sum3A_221 = arith.constant true
          %reduce_sum3A_222 = vector.broadcast %reduce_sum3A_221 : i1 to vector<16xi1>
          %reduce_sum3A_223 = tpu.scan <sum>, %add3A_220 masked %reduce_sum3A_222 : vector<16xf32>, vector<16xi1> -> vector<16xf32>
          %reduce_sum3A_224 = vector.extract %reduce_sum3A_223[15] : f32 from vector<16xf32>
          %mul3A_225 = arith.constant 16 : i32
          %mul3A_226 = arith.muli %scan3A_87, %mul3A_225 : i32
          %mul3A_227 = arith.constant 4 : i32
          %mul3A_228 = arith.muli %scan3A_103, %mul3A_227 : i32
          %add3A_229 = arith.addi %mul3A_226, %mul3A_228 : i32
          %add3A_230 = arith.constant 2 : i32
          %add3A_231 = arith.addi %add3A_229, %add3A_230 : i32
          %get3A_232 = arith.index_cast %add3A_231 : i32 to index
          %get3A_233 = arith.constant 0 : index
          %get3A_234 = tpu.vector_load %arg9[%get3A_232, %get3A_233] {strides = array<i32>} : memref<80x64xi32, #tpu.memory_space<vmem>>, vector<16xi32>,
          %bitcast3A_235 = vector.bitcast %get3A_234 : vector<16xi32> to vector<32xbf16>
          %get3A_236 = arith.index_cast %add3A_231 : i32 to index
          %get3A_237 = arith.constant 0 : index
          %get3A_238 = tpu.vector_load %arg11[%get3A_236, %get3A_237] {strides = array<i32>} : memref<80x64xi32, #tpu.memory_space<vmem>>, vector<16xi32>,
          %bitcast3A_239 = vector.bitcast %get3A_238 : vector<16xi32> to vector<32xbf16>
          %mul3A_240 = arith.mulf %bitcast3A_235, %bitcast3A_239 : vector<32xbf16>
          %unpack3A_241 = tpu.unpack_subelements %mul3A_240, 0 {pack_format = #tpu.pack_format<interleaved>} : vector<32xbf16> -> vector<16xf32>
          %unpack3A_242 = tpu.unpack_subelements %mul3A_240, 1 {pack_format = #tpu.pack_format<interleaved>} : vector<32xbf16> -> vector<16xf32>
          %add3A_243 = arith.addf %unpack3A_241, %unpack3A_242 : vector<16xf32>
          %get3A_244 = arith.index_cast %add3A_231 : i32 to index
          %get3A_245 = arith.constant 16 : index
          %get3A_246 = tpu.vector_load %arg9[%get3A_244, %get3A_245] {strides = array<i32>} : memref<80x64xi32, #tpu.memory_space<vmem>>, vector<16xi32>,
          %bitcast3A_247 = vector.bitcast %get3A_246 : vector<16xi32> to vector<32xbf16>
          %get3A_248 = arith.index_cast %add3A_231 : i32 to index
          %get3A_249 = arith.constant 16 : index
          %get3A_250 = tpu.vector_load %arg11[%get3A_248, %get3A_249] {strides = array<i32>} : memref<80x64xi32, #tpu.memory_space<vmem>>, vector<16xi32>,
          %bitcast3A_251 = vector.bitcast %get3A_250 : vector<16xi32> to vector<32xbf16>
          %mul3A_252 = arith.mulf %bitcast3A_247, %bitcast3A_251 : vector<32xbf16>
          %unpack3A_253 = tpu.unpack_subelements %mul3A_252, 0 {pack_format = #tpu.pack_format<interleaved>} : vector<32xbf16> -> vector<16xf32>
          %unpack3A_254 = tpu.unpack_subelements %mul3A_252, 1 {pack_format = #tpu.pack_format<interleaved>} : vector<32xbf16> -> vector<16xf32>
          %add3A_255 = arith.addf %unpack3A_253, %unpack3A_254 : vector<16xf32>
          %add3A_256 = arith.addf %add3A_243, %add3A_255 : vector<16xf32>
          %get3A_257 = arith.index_cast %add3A_231 : i32 to index
          %get3A_258 = arith.constant 32 : index
          %get3A_259 = tpu.vector_load %arg9[%get3A_257, %get3A_258] {strides = array<i32>} : memref<80x64xi32, #tpu.memory_space<vmem>>, vector<16xi32>,
          %bitcast3A_260 = vector.bitcast %get3A_259 : vector<16xi32> to vector<32xbf16>
          %get3A_261 = arith.index_cast %add3A_231 : i32 to index
          %get3A_262 = arith.constant 32 : index
          %get3A_263 = tpu.vector_load %arg11[%get3A_261, %get3A_262] {strides = array<i32>} : memref<80x64xi32, #tpu.memory_space<vmem>>, vector<16xi32>,
          %bitcast3A_264 = vector.bitcast %get3A_263 : vector<16xi32> to vector<32xbf16>
          %mul3A_265 = arith.mulf %bitcast3A_260, %bitcast3A_264 : vector<32xbf16>
          %unpack3A_266 = tpu.unpack_subelements %mul3A_265, 0 {pack_format = #tpu.pack_format<interleaved>} : vector<32xbf16> -> vector<16xf32>
          %unpack3A_267 = tpu.unpack_subelements %mul3A_265, 1 {pack_format = #tpu.pack_format<interleaved>} : vector<32xbf16> -> vector<16xf32>
          %add3A_268 = arith.addf %unpack3A_266, %unpack3A_267 : vector<16xf32>
          %add3A_269 = arith.addf %add3A_256, %add3A_268 : vector<16xf32>
          %get3A_270 = arith.index_cast %add3A_231 : i32 to index
          %get3A_271 = arith.constant 48 : index
          %get3A_272 = tpu.vector_load %arg9[%get3A_270, %get3A_271] {strides = array<i32>} : memref<80x64xi32, #tpu.memory_space<vmem>>, vector<16xi32>,
          %bitcast3A_273 = vector.bitcast %get3A_272 : vector<16xi32> to vector<32xbf16>
          %get3A_274 = arith.index_cast %add3A_231 : i32 to index
          %get3A_275 = arith.constant 48 : index
          %get3A_276 = tpu.vector_load %arg11[%get3A_274, %get3A_275] {strides = array<i32>} : memref<80x64xi32, #tpu.memory_space<vmem>>, vector<16xi32>,
          %bitcast3A_277 = vector.bitcast %get3A_276 : vector<16xi32> to vector<32xbf16>
          %mul3A_278 = arith.mulf %bitcast3A_273, %bitcast3A_277 : vector<32xbf16>
          %unpack3A_279 = tpu.unpack_subelements %mul3A_278, 0 {pack_format = #tpu.pack_format<interleaved>} : vector<32xbf16> -> vector<16xf32>
          %unpack3A_280 = tpu.unpack_subelements %mul3A_278, 1 {pack_format = #tpu.pack_format<interleaved>} : vector<32xbf16> -> vector<16xf32>
          %add3A_281 = arith.addf %unpack3A_279, %unpack3A_280 : vector<16xf32>
          %add3A_282 = arith.addf %add3A_269, %add3A_281 : vector<16xf32>
          %reduce_sum3A_283 = arith.constant true
          %reduce_sum3A_284 = vector.broadcast %reduce_sum3A_283 : i1 to vector<16xi1>
          %reduce_sum3A_285 = tpu.scan <sum>, %add3A_282 masked %reduce_sum3A_284 : vector<16xf32>, vector<16xi1> -> vector<16xf32>
          %reduce_sum3A_286 = vector.extract %reduce_sum3A_285[15] : f32 from vector<16xf32>
          %mul3A_287 = arith.constant 16 : i32
          %mul3A_288 = arith.muli %scan3A_87, %mul3A_287 : i32
          %mul3A_289 = arith.constant 4 : i32
          %mul3A_290 = arith.muli %scan3A_103, %mul3A_289 : i32
          %add3A_291 = arith.addi %mul3A_288, %mul3A_290 : i32
          %add3A_292 = arith.constant 3 : i32
          %add3A_293 = arith.addi %add3A_291, %add3A_292 : i32
          %get3A_294 = arith.index_cast %add3A_293 : i32 to index
          %get3A_295 = arith.constant 0 : index
          %get3A_296 = tpu.vector_load %arg9[%get3A_294, %get3A_295] {strides = array<i32>} : memref<80x64xi32, #tpu.memory_space<vmem>>, vector<16xi32>,
          %bitcast3A_297 = vector.bitcast %get3A_296 : vector<16xi32> to vector<32xbf16>
          %get3A_298 = arith.index_cast %add3A_293 : i32 to index
          %get3A_299 = arith.constant 0 : index
          %get3A_300 = tpu.vector_load %arg11[%get3A_298, %get3A_299] {strides = array<i32>} : memref<80x64xi32, #tpu.memory_space<vmem>>, vector<16xi32>,
          %bitcast3A_301 = vector.bitcast %get3A_300 : vector<16xi32> to vector<32xbf16>
          %mul3A_302 = arith.mulf %bitcast3A_297, %bitcast3A_301 : vector<32xbf16>
          %unpack3A_303 = tpu.unpack_subelements %mul3A_302, 0 {pack_format = #tpu.pack_format<interleaved>} : vector<32xbf16> -> vector<16xf32>
          %unpack3A_304 = tpu.unpack_subelements %mul3A_302, 1 {pack_format = #tpu.pack_format<interleaved>} : vector<32xbf16> -> vector<16xf32>
          %add3A_305 = arith.addf %unpack3A_303, %unpack3A_304 : vector<16xf32>
          %get3A_306 = arith.index_cast %add3A_293 : i32 to index
          %get3A_307 = arith.constant 16 : index
          %get3A_308 = tpu.vector_load %arg9[%get3A_306, %get3A_307] {strides = array<i32>} : memref<80x64xi32, #tpu.memory_space<vmem>>, vector<16xi32>,
          %bitcast3A_309 = vector.bitcast %get3A_308 : vector<16xi32> to vector<32xbf16>
          %get3A_310 = arith.index_cast %add3A_293 : i32 to index
          %get3A_311 = arith.constant 16 : index
          %get3A_312 = tpu.vector_load %arg11[%get3A_310, %get3A_311] {strides = array<i32>} : memref<80x64xi32, #tpu.memory_space<vmem>>, vector<16xi32>,
          %bitcast3A_313 = vector.bitcast %get3A_312 : vector<16xi32> to vector<32xbf16>
          %mul3A_314 = arith.mulf %bitcast3A_309, %bitcast3A_313 : vector<32xbf16>
          %unpack3A_315 = tpu.unpack_subelements %mul3A_314, 0 {pack_format = #tpu.pack_format<interleaved>} : vector<32xbf16> -> vector<16xf32>
          %unpack3A_316 = tpu.unpack_subelements %mul3A_314, 1 {pack_format = #tpu.pack_format<interleaved>} : vector<32xbf16> -> vector<16xf32>
          %add3A_317 = arith.addf %unpack3A_315, %unpack3A_316 : vector<16xf32>
          %add3A_318 = arith.addf %add3A_305, %add3A_317 : vector<16xf32>
          %get3A_319 = arith.index_cast %add3A_293 : i32 to index
          %get3A_320 = arith.constant 32 : index
          %get3A_321 = tpu.vector_load %arg9[%get3A_319, %get3A_320] {strides = array<i32>} : memref<80x64xi32, #tpu.memory_space<vmem>>, vector<16xi32>,
          %bitcast3A_322 = vector.bitcast %get3A_321 : vector<16xi32> to vector<32xbf16>
          %get3A_323 = arith.index_cast %add3A_293 : i32 to index
          %get3A_324 = arith.constant 32 : index
          %get3A_325 = tpu.vector_load %arg11[%get3A_323, %get3A_324] {strides = array<i32>} : memref<80x64xi32, #tpu.memory_space<vmem>>, vector<16xi32>,
          %bitcast3A_326 = vector.bitcast %get3A_325 : vector<16xi32> to vector<32xbf16>
          %mul3A_327 = arith.mulf %bitcast3A_322, %bitcast3A_326 : vector<32xbf16>
          %unpack3A_328 = tpu.unpack_subelements %mul3A_327, 0 {pack_format = #tpu.pack_format<interleaved>} : vector<32xbf16> -> vector<16xf32>
          %unpack3A_329 = tpu.unpack_subelements %mul3A_327, 1 {pack_format = #tpu.pack_format<interleaved>} : vector<32xbf16> -> vector<16xf32>
          %add3A_330 = arith.addf %unpack3A_328, %unpack3A_329 : vector<16xf32>
          %add3A_331 = arith.addf %add3A_318, %add3A_330 : vector<16xf32>
          %get3A_332 = arith.index_cast %add3A_293 : i32 to index
          %get3A_333 = arith.constant 48 : index
          %get3A_334 = tpu.vector_load %arg9[%get3A_332, %get3A_333] {strides = array<i32>} : memref<80x64xi32, #tpu.memory_space<vmem>>, vector<16xi32>,
          %bitcast3A_335 = vector.bitcast %get3A_334 : vector<16xi32> to vector<32xbf16>
          %get3A_336 = arith.index_cast %add3A_293 : i32 to index
          %get3A_337 = arith.constant 48 : index
          %get3A_338 = tpu.vector_load %arg11[%get3A_336, %get3A_337] {strides = array<i32>} : memref<80x64xi32, #tpu.memory_space<vmem>>, vector<16xi32>,
          %bitcast3A_339 = vector.bitcast %get3A_338 : vector<16xi32> to vector<32xbf16>
          %mul3A_340 = arith.mulf %bitcast3A_335, %bitcast3A_339 : vector<32xbf16>
          %unpack3A_341 = tpu.unpack_subelements %mul3A_340, 0 {pack_format = #tpu.pack_format<interleaved>} : vector<32xbf16> -> vector<16xf32>
          %unpack3A_342 = tpu.unpack_subelements %mul3A_340, 1 {pack_format = #tpu.pack_format<interleaved>} : vector<32xbf16> -> vector<16xf32>
          %add3A_343 = arith.addf %unpack3A_341, %unpack3A_342 : vector<16xf32>
          %add3A_344 = arith.addf %add3A_331, %add3A_343 : vector<16xf32>
          %reduce_sum3A_345 = arith.constant true
          %reduce_sum3A_346 = vector.broadcast %reduce_sum3A_345 : i1 to vector<16xi1>
          %reduce_sum3A_347 = tpu.scan <sum>, %add3A_344 masked %reduce_sum3A_346 : vector<16xf32>, vector<16xi1> -> vector<16xf32>
          %reduce_sum3A_348 = vector.extract %reduce_sum3A_347[15] : f32 from vector<16xf32>
          %mul3A_349 = arith.constant 4 : i32
          %mul3A_350 = arith.muli %scan3A_103, %mul3A_349 : i32
          %add3A_351 = arith.constant 0 : i32
          %add3A_352 = arith.addi %mul3A_350, %add3A_351 : i32
          %eq3A = vector.broadcast %add3A_352 : i32 to vector<16xi32>
          %eq3A_353 = arith.cmpi eq, %iota3A, %eq3A : vector<16xi32>
          %broadcast_in_dim3A_354 = vector.broadcast %reduce_sum3A_162 : f32 to vector<16xf32>
          %select_n3A = arith.select %eq3A_353, %broadcast_in_dim3A_354, %scan3A_104 : vector<16xi1>, vector<16xf32>
          %mul3A_355 = arith.constant 4 : i32
          %mul3A_356 = arith.muli %scan3A_103, %mul3A_355 : i32
          %add3A_357 = arith.constant 1 : i32
          %add3A_358 = arith.addi %mul3A_356, %add3A_357 : i32
          %eq3A_359 = vector.broadcast %add3A_358 : i32 to vector<16xi32>
          %eq3A_360 = arith.cmpi eq, %iota3A, %eq3A_359 : vector<16xi32>
          %broadcast_in_dim3A_361 = vector.broadcast %reduce_sum3A_224 : f32 to vector<16xf32>
          %select_n3A_362 = arith.select %eq3A_360, %broadcast_in_dim3A_361, %select_n3A : vector<16xi1>, vector<16xf32>
          %mul3A_363 = arith.constant 4 : i32
          %mul3A_364 = arith.muli %scan3A_103, %mul3A_363 : i32
          %add3A_365 = arith.constant 2 : i32
          %add3A_366 = arith.addi %mul3A_364, %add3A_365 : i32
          %eq3A_367 = vector.broadcast %add3A_366 : i32 to vector<16xi32>
          %eq3A_368 = arith.cmpi eq, %iota3A, %eq3A_367 : vector<16xi32>
          %broadcast_in_dim3A_369 = vector.broadcast %reduce_sum3A_286 : f32 to vector<16xf32>
          %select_n3A_370 = arith.select %eq3A_368, %broadcast_in_dim3A_369, %select_n3A_362 : vector<16xi1>, vector<16xf32>
          %mul3A_371 = arith.constant 4 : i32
          %mul3A_372 = arith.muli %scan3A_103, %mul3A_371 : i32
          %add3A_373 = arith.constant 3 : i32
          %add3A_374 = arith.addi %mul3A_372, %add3A_373 : i32
          %eq3A_375 = vector.broadcast %add3A_374 : i32 to vector<16xi32>
          %eq3A_376 = arith.cmpi eq, %iota3A, %eq3A_375 : vector<16xi32>
          %broadcast_in_dim3A_377 = vector.broadcast %reduce_sum3A_348 : f32 to vector<16xf32>
          %select_n3A_378 = arith.select %eq3A_376, %broadcast_in_dim3A_377, %select_n3A_370 : vector<16xi1>, vector<16xf32>
          scf.yield %select_n3A_378 : vector<16xf32>
        }
        %scan3A_95 = arith.constant 4 : i32
        %mul3A_96 = arith.constant 80 : i32
        %mul3A_97 = arith.muli %add3A_33, %mul3A_96 : i32
        %mul3A_98 = arith.constant 16 : i32
        %mul3A_99 = arith.muli %scan3A_87, %mul3A_98 : i32
        %add3A_100 = arith.addi %mul3A_97, %mul3A_99 : i32
        %swap3A = arith.index_cast %add3A_100 : i32 to index
        %swap3A_101 = tpu.vector_load %arg13[%swap3A] {strides = array<i32>} : memref<20000xf32, #tpu.memory_space<vmem>>, vector<16xf32>,
        tpu.vector_store %arg13[%swap3A], %scan3A_94 {strides = array<i32>} : memref<20000xf32, #tpu.memory_space<vmem>>, vector<16xf32>,
        %scan3A_102 = arith.constant 0 : i32
        scf.yield %scan3A_102 : i32
      }
      %scan3A_51 = arith.constant 5 : i32
      %add3A_52 = arith.constant 2 : i32
      %add3A_53 = arith.addi %add3A_33, %add3A_52 : i32
      %lt3A = arith.constant 250 : i32
      %lt3A_54 = arith.cmpi slt, %add3A_53, %lt3A : i32
      %convert_element_type3A = arith.extui %lt3A_54 : i1 to i32
      %cond3A = arith.constant 0 : i32
      %cond3A_55 = arith.cmpi ne, %convert_element_type3A, %cond3A : i32
      scf.if %cond3A_55 {
        %add3A_87 = arith.constant 2 : i32
        %add3A_88 = arith.addi %add3A_33, %add3A_87 : i32
        %mul3A_89 = arith.constant 80 : i32
        %mul3A_90 = arith.muli %add3A_88, %mul3A_89 : i32
        %dma_start3A_91 = tpu.memref_slice %arg7[%mul3A_90] : memref<20000xi32, #tpu.memory_space<vmem>> -> memref<80xi32, #tpu.memory_space<vmem>>
        %dma_start3A_92 = arith.constant 0 : i32
        %dma_start3A_93 = arith.constant 0 : i32
        %dma_start3A_94 = tpu.memref_slice %arg2[%dma_start3A_92, %dma_start3A_93] : memref<10000x64xi32, #tpu.memory_space<hbm>> -> memref<10000x64xi32, #tpu.memory_space<hbm>>
        tpu.enqueue_indirect_dma source(%dma_start3A_94 : memref<10000x64xi32, #tpu.memory_space<hbm>>) target(%arg9 : memref<80x64xi32, #tpu.memory_space<vmem>>) offsets(%dma_start3A_91 : memref<80xi32, #tpu.memory_space<vmem>>) semaphore(%arg14 : memref<!tpu.dma_semaphore, #tpu.memory_space<semaphore_mem>>)
        %mul3A_95 = arith.constant 80 : i32
        %mul3A_96 = arith.muli %add3A_88, %mul3A_95 : i32
        %dma_start3A_97 = tpu.memref_slice %arg8[%mul3A_96] : memref<20000xi32, #tpu.memory_space<vmem>> -> memref<80xi32, #tpu.memory_space<vmem>>
        %dma_start3A_98 = arith.constant 0 : i32
        %dma_start3A_99 = arith.constant 0 : i32
        %dma_start3A_100 = tpu.memref_slice %arg3[%dma_start3A_98, %dma_start3A_99] : memref<10000x64xi32, #tpu.memory_space<hbm>> -> memref<10000x64xi32, #tpu.memory_space<hbm>>
        tpu.enqueue_indirect_dma source(%dma_start3A_100 : memref<10000x64xi32, #tpu.memory_space<hbm>>) target(%arg11 : memref<80x64xi32, #tpu.memory_space<vmem>>) offsets(%dma_start3A_97 : memref<80xi32, #tpu.memory_space<vmem>>) semaphore(%arg14 : memref<!tpu.dma_semaphore, #tpu.memory_space<semaphore_mem>>)
      } else {
      }
      %mul3A_56 = arith.constant 2 : i32
      %mul3A_57 = arith.muli %mul3A_56, %scan3A_28 : i32
      %add3A_58 = arith.constant 1 : i32
      %add3A_59 = arith.addi %mul3A_57, %add3A_58 : i32
      %dma_wait3A_60 = arith.constant 0 : i32
      %dma_wait3A_61 = arith.constant 0 : i32
      %dma_wait3A_62 = tpu.memref_slice %arg2[%dma_wait3A_60, %dma_wait3A_61] : memref<10000x64xi32, #tpu.memory_space<hbm>> -> memref<80x64xi32, #tpu.memory_space<hbm>>
      %dma_wait3A_63 = arith.constant 0 : i32
      %dma_wait3A_64 = arith.constant 0 : i32
      %dma_wait3A_65 = tpu.memref_slice %arg2[%dma_wait3A_63, %dma_wait3A_64] : memref<10000x64xi32, #tpu.memory_space<hbm>> -> memref<80x64xi32, #tpu.memory_space<hbm>>
      tpu.wait_dma2 semaphore(%arg15 : memref<!tpu.dma_semaphore, #tpu.memory_space<semaphore_mem>>) src(%dma_wait3A_65 : memref<80x64xi32, #tpu.memory_space<hbm>>) dst(%arg10 : memref<80x64xi32, #tpu.memory_space<vmem>>)
      %dma_wait3A_66 = arith.constant 0 : i32
      %dma_wait3A_67 = arith.constant 0 : i32
      %dma_wait3A_68 = tpu.memref_slice %arg3[%dma_wait3A_66, %dma_wait3A_67] : memref<10000x64xi32, #tpu.memory_space<hbm>> -> memref<80x64xi32, #tpu.memory_space<hbm>>
      %dma_wait3A_69 = arith.constant 0 : i32
      %dma_wait3A_70 = arith.constant 0 : i32
      %dma_wait3A_71 = tpu.memref_slice %arg3[%dma_wait3A_69, %dma_wait3A_70] : memref<10000x64xi32, #tpu.memory_space<hbm>> -> memref<80x64xi32, #tpu.memory_space<hbm>>
      tpu.wait_dma2 semaphore(%arg15 : memref<!tpu.dma_semaphore, #tpu.memory_space<semaphore_mem>>) src(%dma_wait3A_71 : memref<80x64xi32, #tpu.memory_space<hbm>>) dst(%arg12 : memref<80x64xi32, #tpu.memory_space<vmem>>)
      %scan3A_72 = arith.constant 0 : i32
      %scan3A_73 = arith.constant 0 : i32
      %scan3A_74 = arith.constant 5 : i32
      %scan3A_75 = arith.addi %scan3A_73, %scan3A_74 : i32
      %scan3A_76 = arith.constant 1 : i32
      %scan3A_77 = scf.for %scan3A_87 = %scan3A_73 to %scan3A_75 step %scan3A_76 iter_args(%scan3A_88 = %scan3A_72) -> (i32)  : i32 {
        %broadcast_in_dim3A = arith.constant 0.000000e+00 : f32
        %broadcast_in_dim3A_89 = vector.broadcast %broadcast_in_dim3A : f32 to vector<16xf32>
        %scan3A_90 = arith.constant 0 : i32
        %scan3A_91 = arith.constant 4 : i32
        %scan3A_92 = arith.addi %scan3A_90, %scan3A_91 : i32
        %scan3A_93 = arith.constant 1 : i32
        %scan3A_94 = scf.for %scan3A_103 = %scan3A_90 to %scan3A_92 step %scan3A_93 iter_args(%scan3A_104 = %broadcast_in_dim3A_89) -> (vector<16xf32>)  : i32 {
          %mul3A_105 = arith.constant 16 : i32
          %mul3A_106 = arith.muli %scan3A_87, %mul3A_105 : i32
          %mul3A_107 = arith.constant 4 : i32
          %mul3A_108 = arith.muli %scan3A_103, %mul3A_107 : i32
          %add3A_109 = arith.addi %mul3A_106, %mul3A_108 : i32
          %add3A_110 = arith.constant 0 : i32
          %add3A_111 = arith.addi %add3A_109, %add3A_110 : i32
          %get3A = arith.index_cast %add3A_111 : i32 to index
          %get3A_112 = arith.constant 0 : index
          %get3A_113 = tpu.vector_load %arg10[%get3A, %get3A_112] {strides = array<i32>} : memref<80x64xi32, #tpu.memory_space<vmem>>, vector<16xi32>,
          %bitcast3A = vector.bitcast %get3A_113 : vector<16xi32> to vector<32xbf16>
          %get3A_114 = arith.index_cast %add3A_111 : i32 to index
          %get3A_115 = arith.constant 0 : index
          %get3A_116 = tpu.vector_load %arg12[%get3A_114, %get3A_115] {strides = array<i32>} : memref<80x64xi32, #tpu.memory_space<vmem>>, vector<16xi32>,
          %bitcast3A_117 = vector.bitcast %get3A_116 : vector<16xi32> to vector<32xbf16>
          %mul3A_118 = arith.mulf %bitcast3A, %bitcast3A_117 : vector<32xbf16>
          %unpack3A = tpu.unpack_subelements %mul3A_118, 0 {pack_format = #tpu.pack_format<interleaved>} : vector<32xbf16> -> vector<16xf32>
          %unpack3A_119 = tpu.unpack_subelements %mul3A_118, 1 {pack_format = #tpu.pack_format<interleaved>} : vector<32xbf16> -> vector<16xf32>
          %add3A_120 = arith.addf %unpack3A, %unpack3A_119 : vector<16xf32>
          %get3A_121 = arith.index_cast %add3A_111 : i32 to index
          %get3A_122 = arith.constant 16 : index
          %get3A_123 = tpu.vector_load %arg10[%get3A_121, %get3A_122] {strides = array<i32>} : memref<80x64xi32, #tpu.memory_space<vmem>>, vector<16xi32>,
          %bitcast3A_124 = vector.bitcast %get3A_123 : vector<16xi32> to vector<32xbf16>
          %get3A_125 = arith.index_cast %add3A_111 : i32 to index
          %get3A_126 = arith.constant 16 : index
          %get3A_127 = tpu.vector_load %arg12[%get3A_125, %get3A_126] {strides = array<i32>} : memref<80x64xi32, #tpu.memory_space<vmem>>, vector<16xi32>,
          %bitcast3A_128 = vector.bitcast %get3A_127 : vector<16xi32> to vector<32xbf16>
          %mul3A_129 = arith.mulf %bitcast3A_124, %bitcast3A_128 : vector<32xbf16>
          %unpack3A_130 = tpu.unpack_subelements %mul3A_129, 0 {pack_format = #tpu.pack_format<interleaved>} : vector<32xbf16> -> vector<16xf32>
          %unpack3A_131 = tpu.unpack_subelements %mul3A_129, 1 {pack_format = #tpu.pack_format<interleaved>} : vector<32xbf16> -> vector<16xf32>
          %add3A_132 = arith.addf %unpack3A_130, %unpack3A_131 : vector<16xf32>
          %add3A_133 = arith.addf %add3A_120, %add3A_132 : vector<16xf32>
          %get3A_134 = arith.index_cast %add3A_111 : i32 to index
          %get3A_135 = arith.constant 32 : index
          %get3A_136 = tpu.vector_load %arg10[%get3A_134, %get3A_135] {strides = array<i32>} : memref<80x64xi32, #tpu.memory_space<vmem>>, vector<16xi32>,
          %bitcast3A_137 = vector.bitcast %get3A_136 : vector<16xi32> to vector<32xbf16>
          %get3A_138 = arith.index_cast %add3A_111 : i32 to index
          %get3A_139 = arith.constant 32 : index
          %get3A_140 = tpu.vector_load %arg12[%get3A_138, %get3A_139] {strides = array<i32>} : memref<80x64xi32, #tpu.memory_space<vmem>>, vector<16xi32>,
          %bitcast3A_141 = vector.bitcast %get3A_140 : vector<16xi32> to vector<32xbf16>
          %mul3A_142 = arith.mulf %bitcast3A_137, %bitcast3A_141 : vector<32xbf16>
          %unpack3A_143 = tpu.unpack_subelements %mul3A_142, 0 {pack_format = #tpu.pack_format<interleaved>} : vector<32xbf16> -> vector<16xf32>
          %unpack3A_144 = tpu.unpack_subelements %mul3A_142, 1 {pack_format = #tpu.pack_format<interleaved>} : vector<32xbf16> -> vector<16xf32>
          %add3A_145 = arith.addf %unpack3A_143, %unpack3A_144 : vector<16xf32>
          %add3A_146 = arith.addf %add3A_133, %add3A_145 : vector<16xf32>
          %get3A_147 = arith.index_cast %add3A_111 : i32 to index
          %get3A_148 = arith.constant 48 : index
          %get3A_149 = tpu.vector_load %arg10[%get3A_147, %get3A_148] {strides = array<i32>} : memref<80x64xi32, #tpu.memory_space<vmem>>, vector<16xi32>,
          %bitcast3A_150 = vector.bitcast %get3A_149 : vector<16xi32> to vector<32xbf16>
          %get3A_151 = arith.index_cast %add3A_111 : i32 to index
          %get3A_152 = arith.constant 48 : index
          %get3A_153 = tpu.vector_load %arg12[%get3A_151, %get3A_152] {strides = array<i32>} : memref<80x64xi32, #tpu.memory_space<vmem>>, vector<16xi32>,
          %bitcast3A_154 = vector.bitcast %get3A_153 : vector<16xi32> to vector<32xbf16>
          %mul3A_155 = arith.mulf %bitcast3A_150, %bitcast3A_154 : vector<32xbf16>
          %unpack3A_156 = tpu.unpack_subelements %mul3A_155, 0 {pack_format = #tpu.pack_format<interleaved>} : vector<32xbf16> -> vector<16xf32>
          %unpack3A_157 = tpu.unpack_subelements %mul3A_155, 1 {pack_format = #tpu.pack_format<interleaved>} : vector<32xbf16> -> vector<16xf32>
          %add3A_158 = arith.addf %unpack3A_156, %unpack3A_157 : vector<16xf32>
          %add3A_159 = arith.addf %add3A_146, %add3A_158 : vector<16xf32>
          %reduce_sum3A = arith.constant true
          %reduce_sum3A_160 = vector.broadcast %reduce_sum3A : i1 to vector<16xi1>
          %reduce_sum3A_161 = tpu.scan <sum>, %add3A_159 masked %reduce_sum3A_160 : vector<16xf32>, vector<16xi1> -> vector<16xf32>
          %reduce_sum3A_162 = vector.extract %reduce_sum3A_161[15] : f32 from vector<16xf32>
          %mul3A_163 = arith.constant 16 : i32
          %mul3A_164 = arith.muli %scan3A_87, %mul3A_163 : i32
          %mul3A_165 = arith.constant 4 : i32
          %mul3A_166 = arith.muli %scan3A_103, %mul3A_165 : i32
          %add3A_167 = arith.addi %mul3A_164, %mul3A_166 : i32
          %add3A_168 = arith.constant 1 : i32
          %add3A_169 = arith.addi %add3A_167, %add3A_168 : i32
          %get3A_170 = arith.index_cast %add3A_169 : i32 to index
          %get3A_171 = arith.constant 0 : index
          %get3A_172 = tpu.vector_load %arg10[%get3A_170, %get3A_171] {strides = array<i32>} : memref<80x64xi32, #tpu.memory_space<vmem>>, vector<16xi32>,
          %bitcast3A_173 = vector.bitcast %get3A_172 : vector<16xi32> to vector<32xbf16>
          %get3A_174 = arith.index_cast %add3A_169 : i32 to index
          %get3A_175 = arith.constant 0 : index
          %get3A_176 = tpu.vector_load %arg12[%get3A_174, %get3A_175] {strides = array<i32>} : memref<80x64xi32, #tpu.memory_space<vmem>>, vector<16xi32>,
          %bitcast3A_177 = vector.bitcast %get3A_176 : vector<16xi32> to vector<32xbf16>
          %mul3A_178 = arith.mulf %bitcast3A_173, %bitcast3A_177 : vector<32xbf16>
          %unpack3A_179 = tpu.unpack_subelements %mul3A_178, 0 {pack_format = #tpu.pack_format<interleaved>} : vector<32xbf16> -> vector<16xf32>
          %unpack3A_180 = tpu.unpack_subelements %mul3A_178, 1 {pack_format = #tpu.pack_format<interleaved>} : vector<32xbf16> -> vector<16xf32>
          %add3A_181 = arith.addf %unpack3A_179, %unpack3A_180 : vector<16xf32>
          %get3A_182 = arith.index_cast %add3A_169 : i32 to index
          %get3A_183 = arith.constant 16 : index
          %get3A_184 = tpu.vector_load %arg10[%get3A_182, %get3A_183] {strides = array<i32>} : memref<80x64xi32, #tpu.memory_space<vmem>>, vector<16xi32>,
          %bitcast3A_185 = vector.bitcast %get3A_184 : vector<16xi32> to vector<32xbf16>
          %get3A_186 = arith.index_cast %add3A_169 : i32 to index
          %get3A_187 = arith.constant 16 : index
          %get3A_188 = tpu.vector_load %arg12[%get3A_186, %get3A_187] {strides = array<i32>} : memref<80x64xi32, #tpu.memory_space<vmem>>, vector<16xi32>,
          %bitcast3A_189 = vector.bitcast %get3A_188 : vector<16xi32> to vector<32xbf16>
          %mul3A_190 = arith.mulf %bitcast3A_185, %bitcast3A_189 : vector<32xbf16>
          %unpack3A_191 = tpu.unpack_subelements %mul3A_190, 0 {pack_format = #tpu.pack_format<interleaved>} : vector<32xbf16> -> vector<16xf32>
          %unpack3A_192 = tpu.unpack_subelements %mul3A_190, 1 {pack_format = #tpu.pack_format<interleaved>} : vector<32xbf16> -> vector<16xf32>
          %add3A_193 = arith.addf %unpack3A_191, %unpack3A_192 : vector<16xf32>
          %add3A_194 = arith.addf %add3A_181, %add3A_193 : vector<16xf32>
          %get3A_195 = arith.index_cast %add3A_169 : i32 to index
          %get3A_196 = arith.constant 32 : index
          %get3A_197 = tpu.vector_load %arg10[%get3A_195, %get3A_196] {strides = array<i32>} : memref<80x64xi32, #tpu.memory_space<vmem>>, vector<16xi32>,
          %bitcast3A_198 = vector.bitcast %get3A_197 : vector<16xi32> to vector<32xbf16>
          %get3A_199 = arith.index_cast %add3A_169 : i32 to index
          %get3A_200 = arith.constant 32 : index
          %get3A_201 = tpu.vector_load %arg12[%get3A_199, %get3A_200] {strides = array<i32>} : memref<80x64xi32, #tpu.memory_space<vmem>>, vector<16xi32>,
          %bitcast3A_202 = vector.bitcast %get3A_201 : vector<16xi32> to vector<32xbf16>
          %mul3A_203 = arith.mulf %bitcast3A_198, %bitcast3A_202 : vector<32xbf16>
          %unpack3A_204 = tpu.unpack_subelements %mul3A_203, 0 {pack_format = #tpu.pack_format<interleaved>} : vector<32xbf16> -> vector<16xf32>
          %unpack3A_205 = tpu.unpack_subelements %mul3A_203, 1 {pack_format = #tpu.pack_format<interleaved>} : vector<32xbf16> -> vector<16xf32>
          %add3A_206 = arith.addf %unpack3A_204, %unpack3A_205 : vector<16xf32>
          %add3A_207 = arith.addf %add3A_194, %add3A_206 : vector<16xf32>
          %get3A_208 = arith.index_cast %add3A_169 : i32 to index
          %get3A_209 = arith.constant 48 : index
          %get3A_210 = tpu.vector_load %arg10[%get3A_208, %get3A_209] {strides = array<i32>} : memref<80x64xi32, #tpu.memory_space<vmem>>, vector<16xi32>,
          %bitcast3A_211 = vector.bitcast %get3A_210 : vector<16xi32> to vector<32xbf16>
          %get3A_212 = arith.index_cast %add3A_169 : i32 to index
          %get3A_213 = arith.constant 48 : index
          %get3A_214 = tpu.vector_load %arg12[%get3A_212, %get3A_213] {strides = array<i32>} : memref<80x64xi32, #tpu.memory_space<vmem>>, vector<16xi32>,
          %bitcast3A_215 = vector.bitcast %get3A_214 : vector<16xi32> to vector<32xbf16>
          %mul3A_216 = arith.mulf %bitcast3A_211, %bitcast3A_215 : vector<32xbf16>
          %unpack3A_217 = tpu.unpack_subelements %mul3A_216, 0 {pack_format = #tpu.pack_format<interleaved>} : vector<32xbf16> -> vector<16xf32>
          %unpack3A_218 = tpu.unpack_subelements %mul3A_216, 1 {pack_format = #tpu.pack_format<interleaved>} : vector<32xbf16> -> vector<16xf32>
          %add3A_219 = arith.addf %unpack3A_217, %unpack3A_218 : vector<16xf32>
          %add3A_220 = arith.addf %add3A_207, %add3A_219 : vector<16xf32>
          %reduce_sum3A_221 = arith.constant true
          %reduce_sum3A_222 = vector.broadcast %reduce_sum3A_221 : i1 to vector<16xi1>
          %reduce_sum3A_223 = tpu.scan <sum>, %add3A_220 masked %reduce_sum3A_222 : vector<16xf32>, vector<16xi1> -> vector<16xf32>
          %reduce_sum3A_224 = vector.extract %reduce_sum3A_223[15] : f32 from vector<16xf32>
          %mul3A_225 = arith.constant 16 : i32
          %mul3A_226 = arith.muli %scan3A_87, %mul3A_225 : i32
          %mul3A_227 = arith.constant 4 : i32
          %mul3A_228 = arith.muli %scan3A_103, %mul3A_227 : i32
          %add3A_229 = arith.addi %mul3A_226, %mul3A_228 : i32
          %add3A_230 = arith.constant 2 : i32
          %add3A_231 = arith.addi %add3A_229, %add3A_230 : i32
          %get3A_232 = arith.index_cast %add3A_231 : i32 to index
          %get3A_233 = arith.constant 0 : index
          %get3A_234 = tpu.vector_load %arg10[%get3A_232, %get3A_233] {strides = array<i32>} : memref<80x64xi32, #tpu.memory_space<vmem>>, vector<16xi32>,
          %bitcast3A_235 = vector.bitcast %get3A_234 : vector<16xi32> to vector<32xbf16>
          %get3A_236 = arith.index_cast %add3A_231 : i32 to index
          %get3A_237 = arith.constant 0 : index
          %get3A_238 = tpu.vector_load %arg12[%get3A_236, %get3A_237] {strides = array<i32>} : memref<80x64xi32, #tpu.memory_space<vmem>>, vector<16xi32>,
          %bitcast3A_239 = vector.bitcast %get3A_238 : vector<16xi32> to vector<32xbf16>
          %mul3A_240 = arith.mulf %bitcast3A_235, %bitcast3A_239 : vector<32xbf16>
          %unpack3A_241 = tpu.unpack_subelements %mul3A_240, 0 {pack_format = #tpu.pack_format<interleaved>} : vector<32xbf16> -> vector<16xf32>
          %unpack3A_242 = tpu.unpack_subelements %mul3A_240, 1 {pack_format = #tpu.pack_format<interleaved>} : vector<32xbf16> -> vector<16xf32>
          %add3A_243 = arith.addf %unpack3A_241, %unpack3A_242 : vector<16xf32>
          %get3A_244 = arith.index_cast %add3A_231 : i32 to index
          %get3A_245 = arith.constant 16 : index
          %get3A_246 = tpu.vector_load %arg10[%get3A_244, %get3A_245] {strides = array<i32>} : memref<80x64xi32, #tpu.memory_space<vmem>>, vector<16xi32>,
          %bitcast3A_247 = vector.bitcast %get3A_246 : vector<16xi32> to vector<32xbf16>
          %get3A_248 = arith.index_cast %add3A_231 : i32 to index
          %get3A_249 = arith.constant 16 : index
          %get3A_250 = tpu.vector_load %arg12[%get3A_248, %get3A_249] {strides = array<i32>} : memref<80x64xi32, #tpu.memory_space<vmem>>, vector<16xi32>,
          %bitcast3A_251 = vector.bitcast %get3A_250 : vector<16xi32> to vector<32xbf16>
          %mul3A_252 = arith.mulf %bitcast3A_247, %bitcast3A_251 : vector<32xbf16>
          %unpack3A_253 = tpu.unpack_subelements %mul3A_252, 0 {pack_format = #tpu.pack_format<interleaved>} : vector<32xbf16> -> vector<16xf32>
          %unpack3A_254 = tpu.unpack_subelements %mul3A_252, 1 {pack_format = #tpu.pack_format<interleaved>} : vector<32xbf16> -> vector<16xf32>
          %add3A_255 = arith.addf %unpack3A_253, %unpack3A_254 : vector<16xf32>
          %add3A_256 = arith.addf %add3A_243, %add3A_255 : vector<16xf32>
          %get3A_257 = arith.index_cast %add3A_231 : i32 to index
          %get3A_258 = arith.constant 32 : index
          %get3A_259 = tpu.vector_load %arg10[%get3A_257, %get3A_258] {strides = array<i32>} : memref<80x64xi32, #tpu.memory_space<vmem>>, vector<16xi32>,
          %bitcast3A_260 = vector.bitcast %get3A_259 : vector<16xi32> to vector<32xbf16>
          %get3A_261 = arith.index_cast %add3A_231 : i32 to index
          %get3A_262 = arith.constant 32 : index
          %get3A_263 = tpu.vector_load %arg12[%get3A_261, %get3A_262] {strides = array<i32>} : memref<80x64xi32, #tpu.memory_space<vmem>>, vector<16xi32>,
          %bitcast3A_264 = vector.bitcast %get3A_263 : vector<16xi32> to vector<32xbf16>
          %mul3A_265 = arith.mulf %bitcast3A_260, %bitcast3A_264 : vector<32xbf16>
          %unpack3A_266 = tpu.unpack_subelements %mul3A_265, 0 {pack_format = #tpu.pack_format<interleaved>} : vector<32xbf16> -> vector<16xf32>
          %unpack3A_267 = tpu.unpack_subelements %mul3A_265, 1 {pack_format = #tpu.pack_format<interleaved>} : vector<32xbf16> -> vector<16xf32>
          %add3A_268 = arith.addf %unpack3A_266, %unpack3A_267 : vector<16xf32>
          %add3A_269 = arith.addf %add3A_256, %add3A_268 : vector<16xf32>
          %get3A_270 = arith.index_cast %add3A_231 : i32 to index
          %get3A_271 = arith.constant 48 : index
          %get3A_272 = tpu.vector_load %arg10[%get3A_270, %get3A_271] {strides = array<i32>} : memref<80x64xi32, #tpu.memory_space<vmem>>, vector<16xi32>,
          %bitcast3A_273 = vector.bitcast %get3A_272 : vector<16xi32> to vector<32xbf16>
          %get3A_274 = arith.index_cast %add3A_231 : i32 to index
          %get3A_275 = arith.constant 48 : index
          %get3A_276 = tpu.vector_load %arg12[%get3A_274, %get3A_275] {strides = array<i32>} : memref<80x64xi32, #tpu.memory_space<vmem>>, vector<16xi32>,
          %bitcast3A_277 = vector.bitcast %get3A_276 : vector<16xi32> to vector<32xbf16>
          %mul3A_278 = arith.mulf %bitcast3A_273, %bitcast3A_277 : vector<32xbf16>
          %unpack3A_279 = tpu.unpack_subelements %mul3A_278, 0 {pack_format = #tpu.pack_format<interleaved>} : vector<32xbf16> -> vector<16xf32>
          %unpack3A_280 = tpu.unpack_subelements %mul3A_278, 1 {pack_format = #tpu.pack_format<interleaved>} : vector<32xbf16> -> vector<16xf32>
          %add3A_281 = arith.addf %unpack3A_279, %unpack3A_280 : vector<16xf32>
          %add3A_282 = arith.addf %add3A_269, %add3A_281 : vector<16xf32>
          %reduce_sum3A_283 = arith.constant true
          %reduce_sum3A_284 = vector.broadcast %reduce_sum3A_283 : i1 to vector<16xi1>
          %reduce_sum3A_285 = tpu.scan <sum>, %add3A_282 masked %reduce_sum3A_284 : vector<16xf32>, vector<16xi1> -> vector<16xf32>
          %reduce_sum3A_286 = vector.extract %reduce_sum3A_285[15] : f32 from vector<16xf32>
          %mul3A_287 = arith.constant 16 : i32
          %mul3A_288 = arith.muli %scan3A_87, %mul3A_287 : i32
          %mul3A_289 = arith.constant 4 : i32
          %mul3A_290 = arith.muli %scan3A_103, %mul3A_289 : i32
          %add3A_291 = arith.addi %mul3A_288, %mul3A_290 : i32
          %add3A_292 = arith.constant 3 : i32
          %add3A_293 = arith.addi %add3A_291, %add3A_292 : i32
          %get3A_294 = arith.index_cast %add3A_293 : i32 to index
          %get3A_295 = arith.constant 0 : index
          %get3A_296 = tpu.vector_load %arg10[%get3A_294, %get3A_295] {strides = array<i32>} : memref<80x64xi32, #tpu.memory_space<vmem>>, vector<16xi32>,
          %bitcast3A_297 = vector.bitcast %get3A_296 : vector<16xi32> to vector<32xbf16>
          %get3A_298 = arith.index_cast %add3A_293 : i32 to index
          %get3A_299 = arith.constant 0 : index
          %get3A_300 = tpu.vector_load %arg12[%get3A_298, %get3A_299] {strides = array<i32>} : memref<80x64xi32, #tpu.memory_space<vmem>>, vector<16xi32>,
          %bitcast3A_301 = vector.bitcast %get3A_300 : vector<16xi32> to vector<32xbf16>
          %mul3A_302 = arith.mulf %bitcast3A_297, %bitcast3A_301 : vector<32xbf16>
          %unpack3A_303 = tpu.unpack_subelements %mul3A_302, 0 {pack_format = #tpu.pack_format<interleaved>} : vector<32xbf16> -> vector<16xf32>
          %unpack3A_304 = tpu.unpack_subelements %mul3A_302, 1 {pack_format = #tpu.pack_format<interleaved>} : vector<32xbf16> -> vector<16xf32>
          %add3A_305 = arith.addf %unpack3A_303, %unpack3A_304 : vector<16xf32>
          %get3A_306 = arith.index_cast %add3A_293 : i32 to index
          %get3A_307 = arith.constant 16 : index
          %get3A_308 = tpu.vector_load %arg10[%get3A_306, %get3A_307] {strides = array<i32>} : memref<80x64xi32, #tpu.memory_space<vmem>>, vector<16xi32>,
          %bitcast3A_309 = vector.bitcast %get3A_308 : vector<16xi32> to vector<32xbf16>
          %get3A_310 = arith.index_cast %add3A_293 : i32 to index
          %get3A_311 = arith.constant 16 : index
          %get3A_312 = tpu.vector_load %arg12[%get3A_310, %get3A_311] {strides = array<i32>} : memref<80x64xi32, #tpu.memory_space<vmem>>, vector<16xi32>,
          %bitcast3A_313 = vector.bitcast %get3A_312 : vector<16xi32> to vector<32xbf16>
          %mul3A_314 = arith.mulf %bitcast3A_309, %bitcast3A_313 : vector<32xbf16>
          %unpack3A_315 = tpu.unpack_subelements %mul3A_314, 0 {pack_format = #tpu.pack_format<interleaved>} : vector<32xbf16> -> vector<16xf32>
          %unpack3A_316 = tpu.unpack_subelements %mul3A_314, 1 {pack_format = #tpu.pack_format<interleaved>} : vector<32xbf16> -> vector<16xf32>
          %add3A_317 = arith.addf %unpack3A_315, %unpack3A_316 : vector<16xf32>
          %add3A_318 = arith.addf %add3A_305, %add3A_317 : vector<16xf32>
          %get3A_319 = arith.index_cast %add3A_293 : i32 to index
          %get3A_320 = arith.constant 32 : index
          %get3A_321 = tpu.vector_load %arg10[%get3A_319, %get3A_320] {strides = array<i32>} : memref<80x64xi32, #tpu.memory_space<vmem>>, vector<16xi32>,
          %bitcast3A_322 = vector.bitcast %get3A_321 : vector<16xi32> to vector<32xbf16>
          %get3A_323 = arith.index_cast %add3A_293 : i32 to index
          %get3A_324 = arith.constant 32 : index
          %get3A_325 = tpu.vector_load %arg12[%get3A_323, %get3A_324] {strides = array<i32>} : memref<80x64xi32, #tpu.memory_space<vmem>>, vector<16xi32>,
          %bitcast3A_326 = vector.bitcast %get3A_325 : vector<16xi32> to vector<32xbf16>
          %mul3A_327 = arith.mulf %bitcast3A_322, %bitcast3A_326 : vector<32xbf16>
          %unpack3A_328 = tpu.unpack_subelements %mul3A_327, 0 {pack_format = #tpu.pack_format<interleaved>} : vector<32xbf16> -> vector<16xf32>
          %unpack3A_329 = tpu.unpack_subelements %mul3A_327, 1 {pack_format = #tpu.pack_format<interleaved>} : vector<32xbf16> -> vector<16xf32>
          %add3A_330 = arith.addf %unpack3A_328, %unpack3A_329 : vector<16xf32>
          %add3A_331 = arith.addf %add3A_318, %add3A_330 : vector<16xf32>
          %get3A_332 = arith.index_cast %add3A_293 : i32 to index
          %get3A_333 = arith.constant 48 : index
          %get3A_334 = tpu.vector_load %arg10[%get3A_332, %get3A_333] {strides = array<i32>} : memref<80x64xi32, #tpu.memory_space<vmem>>, vector<16xi32>,
          %bitcast3A_335 = vector.bitcast %get3A_334 : vector<16xi32> to vector<32xbf16>
          %get3A_336 = arith.index_cast %add3A_293 : i32 to index
          %get3A_337 = arith.constant 48 : index
          %get3A_338 = tpu.vector_load %arg12[%get3A_336, %get3A_337] {strides = array<i32>} : memref<80x64xi32, #tpu.memory_space<vmem>>, vector<16xi32>,
          %bitcast3A_339 = vector.bitcast %get3A_338 : vector<16xi32> to vector<32xbf16>
          %mul3A_340 = arith.mulf %bitcast3A_335, %bitcast3A_339 : vector<32xbf16>
          %unpack3A_341 = tpu.unpack_subelements %mul3A_340, 0 {pack_format = #tpu.pack_format<interleaved>} : vector<32xbf16> -> vector<16xf32>
          %unpack3A_342 = tpu.unpack_subelements %mul3A_340, 1 {pack_format = #tpu.pack_format<interleaved>} : vector<32xbf16> -> vector<16xf32>
          %add3A_343 = arith.addf %unpack3A_341, %unpack3A_342 : vector<16xf32>
          %add3A_344 = arith.addf %add3A_331, %add3A_343 : vector<16xf32>
          %reduce_sum3A_345 = arith.constant true
          %reduce_sum3A_346 = vector.broadcast %reduce_sum3A_345 : i1 to vector<16xi1>
          %reduce_sum3A_347 = tpu.scan <sum>, %add3A_344 masked %reduce_sum3A_346 : vector<16xf32>, vector<16xi1> -> vector<16xf32>
          %reduce_sum3A_348 = vector.extract %reduce_sum3A_347[15] : f32 from vector<16xf32>
          %mul3A_349 = arith.constant 4 : i32
          %mul3A_350 = arith.muli %scan3A_103, %mul3A_349 : i32
          %add3A_351 = arith.constant 0 : i32
          %add3A_352 = arith.addi %mul3A_350, %add3A_351 : i32
          %eq3A = vector.broadcast %add3A_352 : i32 to vector<16xi32>
          %eq3A_353 = arith.cmpi eq, %iota3A, %eq3A : vector<16xi32>
          %broadcast_in_dim3A_354 = vector.broadcast %reduce_sum3A_162 : f32 to vector<16xf32>
          %select_n3A = arith.select %eq3A_353, %broadcast_in_dim3A_354, %scan3A_104 : vector<16xi1>, vector<16xf32>
          %mul3A_355 = arith.constant 4 : i32
          %mul3A_356 = arith.muli %scan3A_103, %mul3A_355 : i32
          %add3A_357 = arith.constant 1 : i32
          %add3A_358 = arith.addi %mul3A_356, %add3A_357 : i32
          %eq3A_359 = vector.broadcast %add3A_358 : i32 to vector<16xi32>
          %eq3A_360 = arith.cmpi eq, %iota3A, %eq3A_359 : vector<16xi32>
          %broadcast_in_dim3A_361 = vector.broadcast %reduce_sum3A_224 : f32 to vector<16xf32>
          %select_n3A_362 = arith.select %eq3A_360, %broadcast_in_dim3A_361, %select_n3A : vector<16xi1>, vector<16xf32>
          %mul3A_363 = arith.constant 4 : i32
          %mul3A_364 = arith.muli %scan3A_103, %mul3A_363 : i32
          %add3A_365 = arith.constant 2 : i32
          %add3A_366 = arith.addi %mul3A_364, %add3A_365 : i32
          %eq3A_367 = vector.broadcast %add3A_366 : i32 to vector<16xi32>
          %eq3A_368 = arith.cmpi eq, %iota3A, %eq3A_367 : vector<16xi32>
          %broadcast_in_dim3A_369 = vector.broadcast %reduce_sum3A_286 : f32 to vector<16xf32>
          %select_n3A_370 = arith.select %eq3A_368, %broadcast_in_dim3A_369, %select_n3A_362 : vector<16xi1>, vector<16xf32>
          %mul3A_371 = arith.constant 4 : i32
          %mul3A_372 = arith.muli %scan3A_103, %mul3A_371 : i32
          %add3A_373 = arith.constant 3 : i32
          %add3A_374 = arith.addi %mul3A_372, %add3A_373 : i32
          %eq3A_375 = vector.broadcast %add3A_374 : i32 to vector<16xi32>
          %eq3A_376 = arith.cmpi eq, %iota3A, %eq3A_375 : vector<16xi32>
          %broadcast_in_dim3A_377 = vector.broadcast %reduce_sum3A_348 : f32 to vector<16xf32>
          %select_n3A_378 = arith.select %eq3A_376, %broadcast_in_dim3A_377, %select_n3A_370 : vector<16xi1>, vector<16xf32>
          scf.yield %select_n3A_378 : vector<16xf32>
        }
        %scan3A_95 = arith.constant 4 : i32
        %mul3A_96 = arith.constant 80 : i32
        %mul3A_97 = arith.muli %add3A_59, %mul3A_96 : i32
        %mul3A_98 = arith.constant 16 : i32
        %mul3A_99 = arith.muli %scan3A_87, %mul3A_98 : i32
        %add3A_100 = arith.addi %mul3A_97, %mul3A_99 : i32
        %swap3A = arith.index_cast %add3A_100 : i32 to index
        %swap3A_101 = tpu.vector_load %arg13[%swap3A] {strides = array<i32>} : memref<20000xf32, #tpu.memory_space<vmem>>, vector<16xf32>,
        tpu.vector_store %arg13[%swap3A], %scan3A_94 {strides = array<i32>} : memref<20000xf32, #tpu.memory_space<vmem>>, vector<16xf32>,
        %scan3A_102 = arith.constant 0 : i32
        scf.yield %scan3A_102 : i32
      }
      %scan3A_78 = arith.constant 5 : i32
      %add3A_79 = arith.constant 2 : i32
      %add3A_80 = arith.addi %add3A_59, %add3A_79 : i32
      %lt3A_81 = arith.constant 250 : i32
      %lt3A_82 = arith.cmpi slt, %add3A_80, %lt3A_81 : i32
      %convert_element_type3A_83 = arith.extui %lt3A_82 : i1 to i32
      %cond3A_84 = arith.constant 0 : i32
      %cond3A_85 = arith.cmpi ne, %convert_element_type3A_83, %cond3A_84 : i32
      scf.if %cond3A_85 {
        %add3A_87 = arith.constant 2 : i32
        %add3A_88 = arith.addi %add3A_59, %add3A_87 : i32
        %mul3A_89 = arith.constant 80 : i32
        %mul3A_90 = arith.muli %add3A_88, %mul3A_89 : i32
        %dma_start3A_91 = tpu.memref_slice %arg7[%mul3A_90] : memref<20000xi32, #tpu.memory_space<vmem>> -> memref<80xi32, #tpu.memory_space<vmem>>
        %dma_start3A_92 = arith.constant 0 : i32
        %dma_start3A_93 = arith.constant 0 : i32
        %dma_start3A_94 = tpu.memref_slice %arg2[%dma_start3A_92, %dma_start3A_93] : memref<10000x64xi32, #tpu.memory_space<hbm>> -> memref<10000x64xi32, #tpu.memory_space<hbm>>
        tpu.enqueue_indirect_dma source(%dma_start3A_94 : memref<10000x64xi32, #tpu.memory_space<hbm>>) target(%arg10 : memref<80x64xi32, #tpu.memory_space<vmem>>) offsets(%dma_start3A_91 : memref<80xi32, #tpu.memory_space<vmem>>) semaphore(%arg15 : memref<!tpu.dma_semaphore, #tpu.memory_space<semaphore_mem>>)
        %mul3A_95 = arith.constant 80 : i32
        %mul3A_96 = arith.muli %add3A_88, %mul3A_95 : i32
        %dma_start3A_97 = tpu.memref_slice %arg8[%mul3A_96] : memref<20000xi32, #tpu.memory_space<vmem>> -> memref<80xi32, #tpu.memory_space<vmem>>
        %dma_start3A_98 = arith.constant 0 : i32
        %dma_start3A_99 = arith.constant 0 : i32
        %dma_start3A_100 = tpu.memref_slice %arg3[%dma_start3A_98, %dma_start3A_99] : memref<10000x64xi32, #tpu.memory_space<hbm>> -> memref<10000x64xi32, #tpu.memory_space<hbm>>
        tpu.enqueue_indirect_dma source(%dma_start3A_100 : memref<10000x64xi32, #tpu.memory_space<hbm>>) target(%arg12 : memref<80x64xi32, #tpu.memory_space<vmem>>) offsets(%dma_start3A_97 : memref<80xi32, #tpu.memory_space<vmem>>) semaphore(%arg15 : memref<!tpu.dma_semaphore, #tpu.memory_space<semaphore_mem>>)
      } else {
      }
      %scan3A_86 = arith.constant 0 : i32
      scf.yield %scan3A_86 : i32
    }
    %scan3A_27 = arith.constant 125 : i32
    "tpu.region"() ({
      %run_scoped3A = tpu.sem_alloc : memref<!tpu.dma_semaphore, #tpu.memory_space<semaphore_mem>>
      %dma_start3A_28 = tpu.memref_slice %arg6[%mul3A_2] : memref<640000xf32, #tpu.memory_space<hbm>> -> memref<20000xf32, #tpu.memory_space<hbm>>
      %dma_start3A_29 = tpu.memref_slice %arg6[%mul3A_2] : memref<640000xf32, #tpu.memory_space<hbm>> -> memref<20000xf32, #tpu.memory_space<hbm>>
      tpu.enqueue_dma source(%arg13 : memref<20000xf32, #tpu.memory_space<vmem>>) target(%dma_start3A_29 : memref<20000xf32, #tpu.memory_space<hbm>>) target_semaphore(%run_scoped3A : memref<!tpu.dma_semaphore, #tpu.memory_space<semaphore_mem>>)
      %dma_wait3A = tpu.memref_slice %arg6[%mul3A_2] : memref<640000xf32, #tpu.memory_space<hbm>> -> memref<20000xf32, #tpu.memory_space<hbm>>
      %dma_wait3A_30 = tpu.memref_slice %arg6[%mul3A_2] : memref<640000xf32, #tpu.memory_space<hbm>> -> memref<20000xf32, #tpu.memory_space<hbm>>
      tpu.wait_dma2 semaphore(%run_scoped3A : memref<!tpu.dma_semaphore, #tpu.memory_space<semaphore_mem>>) src(%arg13 : memref<20000xf32, #tpu.memory_space<vmem>>) dst(%dma_wait3A_30 : memref<20000xf32, #tpu.memory_space<hbm>>)
      tpu.yield
    }) : () -> ()
    return
  }
}

</mosaic_0001>

<sc_bundles>
// kernel: kernel.3.cloned.1.call-start
scs
__scs_entry_jumppad:
0x0: {  	(pc) =	sbr.rel $0x88, $3  }
0x1: {  	(tag) =	ssettag $0x0;
	lr =	simm.s32 $0x1  }
0x2: {  	[smem:$0x3F9E] =	sst lr;
	_ =	strace $0xD0000000  }
0x3: {  	_ = 	snop  }
0x4: {  	_ = 	snop  }
0x5: {  	_ = 	snop  }
0x6: {  	_ = 	snop  }
0x7: {  	_ = 	snop  }
__scs_overlays_trampoline_lowered:
0x8: {  	[smem:$0x3FAD] =	sst s0  }
0x9: {  	[smem:$0x3FAE] =	sst s1  }
0xa: {  	[smem:$0x3FAF] =	sst s2  }
0xb: {  	[smem:$0x3FB0] =	sst s3  }
0xc: {  	[smem:$0x3FB1] =	sst s4  }
0xd: {  	[smem:$0x3FB2] =	sst s5  }
0xe: {  	[smem:$0x3FB3] =	sst s6  }
0xf: {  	[smem:$0x3FB4] =	sst s7  }
0x10: {  	[smem:$0x3FB5] =	sst s8  }
0x11: {  	[smem:$0x3FB6] =	sst s9;
	s0 =	simm.s32 @!p0 $0x0  }
0x12: {  	s1 =	sld [smem:$0x3F9C];
	s0 =	simm.s32 @p0 $0x1  }
0x13: {  	[smem:$0x3FB7] =	sst s0;
	s0 =	simm.s32 @!p1 $0x0  }
0x14: {  	s2 =	sld [smem:$0x3F9B];
	s0 =	simm.s32 @p1 $0x1  }
0x15: {  	[smem:$0x3FB8] =	sst s0;
	s0 =	simm.s32 @!p2 $0x0  }
0x16: {  	s3 =	sld [smem:$0x3FDB];
	s0 =	simm.s32 @p2 $0x1  }
0x17: {  	s4 =	simm.s32 $0x1BF5;
	[smem:$0x3FBA] =	sst s0  }
0x18: {  	s0 =	sld [smem:$0x3F9D];
	_ =	swait.ge [sflag:s4], $0x0  }
0x19: {  	s7 =	sld [smem:$0x3F9E]  }
0x1a: {  	s8 =	sadd.s32 $0xFFFFE003, lr  }
0x1b: {  	s9 =	sadd.s32 $0xFFFFFEF7, lr;
	s5 =	simm.s32 $0xFFFFFFFF;
	p2 =	slt.u32 s8, $0xFFFFF086  }
0x1c: {  	p1 =	slt.u32 s9, $0xF7A;
	s5 =	simm.s32 @!p2 $0x0  }
0x1d: {  	s5 =	simm.s32 @p1 $0x1;
	p0 =	seq.s32 s7, s2  }
0x1e: {  	s7 =	smul.u32 @!p0 $0xF7A, s2;
	p2 =	seq.s32 @!p0 s5, $0x0  }
0x1f: {  	s9 =	smul.u32 $0xF7A, s1;
	s8 =	simm.s32 @!p0 $0x1BF5;
	p2 =	por !p2, p0  }
0x20: {  	[sflag:s8] =	ssyncset.s32 @!p0 $0xFFFFF086;
	s6 =	sadd.s32 @!p0 s3, s7;
	s7 =	simm.s32 @!p0 $0x108  }
0x21: {  	s3 =	sadd.s32 s3, s9;
	s6 =	sadd.s32 @!p0 $0x88, s6;
	s7 =	simm.s32 @p2 $0x1082  }
0x22: {  	[simem:s7], [sflag:s8] =	dma.local @!p0 [hbm:s6], $0xF7A  }
0x23: {  	s9 =	sor.u32 $0xD0000000, s2;
	s6 =	simm.s32 $0x108;
	_ =	swait.ge @!p0 [sflag:s8], $0x0  }
0x24: {  	s3 =	sadd.s32 $0x88, s3;
	s6 =	simm.s32 @!p1 $0x1082;
	[sflag:s4] =	ssyncset.s32 $0xFFFFF086  }
0x25: {  	[simem:s6], [sflag:s4] =	dma.local [hbm:s3], $0xF7A  }
0x26: {  	[smem:$0x3F9E] =	sst s1;
	(tag) =	ssettag s2;
	_ =	strace s9  }
0x27: {  	s1 =	sld [smem:$0x3FAE]  }
0x28: {  	s2 =	sld [smem:$0x3FAF]  }
0x29: {  	s4 =	sld [smem:$0x3FB1]  }
0x2a: {  	p0 =	seq.s32 s5, $0x0;
	s5 =	sld [smem:$0x3FB2]  }
0x2b: {  	s6 =	sld [smem:$0x3FB3]  }
0x2c: {  	s7 =	sld [smem:$0x3FB4]  }
0x2d: {  	s3 =	simm.s32 $0x108;
	s8 =	sld [smem:$0x3FB5]  }
0x2e: {  	s3 =	simm.s32 @!p0 $0x1082;
	s9 =	sld [smem:$0x3FB6]  }
0x2f: {  	lr =	sadd.s32 s0, s3;
	s0 =	sld [smem:$0x3FAD]  }
0x30: {  	s3 =	sld [smem:$0x3FB0]  }
0x31: {  	[smem:$0x3FB9] =	sst s10  }
0x32: {  	s10 =	sld [smem:$0x3FB7];
	_ =	sdelay $0x3  }
0x33: {  	p0 =	seq.s32 s10, $0x1;
	s10 =	sld [smem:$0x3FB9];
	_ =	sdelay $0x3  }
0x34: {  	[smem:$0x3FB9] =	sst s10  }
0x35: {  	s10 =	sld [smem:$0x3FB8];
	_ =	sdelay $0x3  }
0x36: {  	p1 =	seq.s32 s10, $0x1;
	s10 =	sld [smem:$0x3FB9];
	_ =	sdelay $0x3  }
0x37: {  	[smem:$0x3FB9] =	sst s10  }
0x38: {  	s10 =	sld [smem:$0x3FBA]  }
0x39: {  	_ = 	snop;
	(pc) =	sbr.ind lr, $3  }
0x3a: {  	_ = 	snop  }
0x3b: {  	_ = 	snop  }
0x3c: {  	p2 =	seq.s32 s10, $0x1;
	s10 =	sld [smem:$0x3FB9]  }
0x3d: {  	_ =	shalt  }
0x3e: {  	_ =	shalt  }
0x3f: {  	_ =	shalt  }
0x40: {  	_ =	shalt  }
0x41: {  	_ =	shalt  }
0x42: {  	_ =	shalt  }
0x43: {  	_ =	shalt  }
0x44: {  	_ =	shalt  }
0x45: {  	_ =	shalt  }
0x46: {  	_ =	shalt  }
0x47: {  	_ =	shalt  }
0x48: {  	_ =	shalt  }
0x49: {  	_ =	shalt  }
0x4a: {  	_ =	shalt  }
0x4b: {  	_ =	shalt  }
0x4c: {  	_ =	shalt  }
0x4d: {  	_ =	shalt  }
0x4e: {  	_ =	shalt  }
0x4f: {  	_ =	shalt  }
0x50: {  	_ =	shalt  }
0x51: {  	_ =	shalt  }
0x52: {  	_ =	shalt  }
0x53: {  	_ =	shalt  }
0x54: {  	_ =	shalt  }
0x55: {  	_ =	shalt  }
0x56: {  	_ =	shalt  }
0x57: {  	_ =	shalt  }
0x58: {  	_ =	shalt  }
0x59: {  	_ =	shalt  }
0x5a: {  	_ =	shalt  }
0x5b: {  	_ =	shalt  }
0x5c: {  	_ =	shalt  }
0x5d: {  	_ =	shalt  }
0x5e: {  	_ =	shalt  }
0x5f: {  	_ =	shalt  }
0x60: {  	_ =	shalt  }
0x61: {  	_ =	shalt  }
0x62: {  	_ =	shalt  }
0x63: {  	_ =	shalt  }
0x64: {  	_ =	shalt  }
0x65: {  	_ =	shalt  }
0x66: {  	_ =	shalt  }
0x67: {  	_ =	shalt  }
0x68: {  	_ =	shalt  }
0x69: {  	_ =	shalt  }
0x6a: {  	_ =	shalt  }
0x6b: {  	_ =	shalt  }
0x6c: {  	_ =	shalt  }
0x6d: {  	_ =	shalt  }
0x6e: {  	_ =	shalt  }
0x6f: {  	_ =	shalt  }
0x70: {  	_ =	shalt  }
0x71: {  	_ =	shalt  }
0x72: {  	_ =	shalt  }
0x73: {  	_ =	shalt  }
0x74: {  	_ =	shalt  }
0x75: {  	_ =	shalt  }
0x76: {  	_ =	shalt  }
0x77: {  	_ =	shalt  }
0x78: {  	_ =	shalt  }
0x79: {  	_ =	shalt  }
0x7a: {  	_ =	shalt  }
0x7b: {  	_ =	shalt  }
0x7c: {  	_ =	shalt  }
0x7d: {  	_ =	shalt  }
0x7e: {  	_ =	shalt  }
0x7f: {  	_ =	shalt  }
0x80: {  	_ =	shalt  }
0x81: {  	_ =	shalt  }
0x82: {  	_ =	shalt  }
0x83: {  	_ =	shalt  }
0x84: {  	_ =	shalt  }
0x85: {  	_ =	shalt  }
0x86: {  	_ =	shalt  }
0x87: {  	_ =	shalt  }
.Lfunc_end0:
.L_simem_size_0:
called_computation_lowered:
.L_overlay_start_0:
0x88: {  	s2 =	sld [smem:$0x3FD9]  }
0x89: {  	s3 =	sld [smem:$0x3FFE];
	_ =	sdelay $0x1  }
0x8a: {  	s1 =	srdreg.scid  }
0x8b: {  	s0 =	sand.u32 $0x1, s1  }
0x8c: {  	s16 =	sshll.u32 s0, $0xA;
	s2 =	sadd.s32 s3, s2  }
0x8d: {  	s2 =	sadd.s32 s2, s16  }
0x8e: {  	[smem:$0x3FC5] =	sst s2  }
0x8f: {  	_ = 	snop  }
0x90: {  	(tm) =	ssettm $0x1  }
0x91: {  	s17 =	sld [smem:$0x3FFB];
	_ =	sdelay $0x3  }
0x92: {  	_ =	strace s17  }
0x93: {  	s2 =	sld [smem:$0x3FFC];
	_ =	sdelay $0x3  }
0x94: {  	_ =	strace s2  }
0x95: {  	s2 =	sld [smem:$0x3FFD];
	_ =	sdelay $0x3  }
0x96: {  	_ =	strace s2  }
0x97: {  	_ =	strace $0x8FFFFFFF  }
0x98: {  	s18 =	sld [smem:$0x3FDB];
	_ =	sdelay $0x1  }
0x99: {  	s19 =	simm.s32 $_scs_section_size  }
0x9a: {  	s4 =	simm.s32 $_size__tile_overlayer_lowered;
	s5 =	simm.s32 $_tile_overlayer_lowered  }
0x9b: {  	s22 =	simm.s32 $0x1BFF;
	s21 =	sshll.u32 s5, $0x1;
	s2 =	sadd.s32 s19, s18  }
0x9c: {  	s6 =	simm.s32 $0x0;
	s20 =	sshll.u32 s4, $0x1;
	s4 =	sadd.s32 s21, s2  }
0x9d: {  	[timem:s6], [sflag:s22] =	dma.local [hbm:s4], s20  }
0x9e: {  	_ =	swait.ge [sflag:s22], s20  }
0x9f: {  	s3 =	ssub.s32 $0x0, s20;
	[sflag:s22] =	ssyncset.done $0x0  }
0xa0: {  	[sflag:s22] =	ssyncadd.s32 s3;
	_ =	sdelay $0x1  }
0xa1: {  	s23 =	simm.s32 $0x1B8B  }
0xa2: {  	_ =	swait.ge [sflag:s23], $0x1  }
0xa3: {  	[sflag:s23] =	ssyncset.done $0x0  }
0xa4: {  	s25 =	simm.s32 $0x1B8E;
	s24 =	sld [smem:$0x3FFE];
	[sflag:s23] =	ssyncadd.s32 $0xFFFFFFFF  }
0xa5: {  	s26 =	simm.s32 $execute0_lowered;
	[smem:$0x3FD2] =	sst s25  }
0xa6: {  	s4 =	sshll.u32 s26, $0x1;
	_ =	strace $0x80000046;
	[dreg:$0x1] =	wrdreg $0xFFFFFFFF  }
0xa7: {  	s28 =	simm.s32 $_size_execute0_lowered;
	s2 =	sadd.s32 s2, s4;
	[dreg:$0x0] =	wrdreg $0x0  }
0xa8: {  	s4 =	sshll.u32 s28, $0x1;
	[dreg:$0x2] =	wrdreg s2  }
0xa9: {  	[dreg:$0x3] =	wrdreg s4  }
0xaa: {  	[dreg:$0x4] =	wrdreg $0xC0  }
0xab: {  	_ =	task [dreg:s6], $0x5FFFF  }
0xac: {  	[dreg:$0x1] =	wrdreg $0xFFFFFFFF  }
0xad: {  	[dreg:$0x0] =	wrdreg $0x60  }
0xae: {  	[dreg:$0x2] =	wrdreg s24  }
0xaf: {  	[dreg:$0x3] =	wrdreg $0x9  }
0xb0: {  	_ =	task.clear_ibuf [dreg:s6], $0x4FFFF;
	_ =	strace $0x90000046  }
0xb1: {  	s29 =	simm.s32 $0x9;
	_ =	strace $0x80000048  }
0xb2: {  	_ =	swait.ge [sflag:s29], $0x1  }
0xb3: {  	[sflag:s29] =	ssyncadd.s32 $0xFFFFFFFF  }
0xb4: {  	_ =	strace $0x90000048  }
0xb5: {  	_ =	sfence  }
0xb6: {  	s30 =	sld [smem:$0x0];
	_ =	sdelay $0x2  }
0xb7: {  	s31 =	sshll.u32 s1, $0xD;
	s1 =	sshrl.u32 s1, $0x2  }
0xb8: {  	s3 =	sand.u32 $0x4000, s31;
	s1 =	sadd.s32 s1, s30  }
0xb9: {  	s0 =	sor.u32 s3, s0;
	s1 =	sshll.u32 s1, $0x11  }
0xba: {  	s0 =	sor.u32 s1, s0  }
0xbb: {  	s0 =	sadd.s32 $0x8F2B, s0  }
0xbc: {  	[sflag:s0] =	ssyncadd.remote.s32 $0x1  }
0xbd: {  	_ =	sfence.sel $0xFFFF  }
0xbe: {  	[dreg:$0x0] =	wrdreg $0xFFFFFFFF;
	(pc) =	sbr.abs _section_cstart, $3  }
0xbf: {  	[dreg:$0x1] =	wrdreg $0xFFFFFFFF  }
0xc0: {  	_ =	task.clear_ibuf [dreg:s6], $0x2FFFF;
	_ =	strace $0x9FFFFFFF  }
0xc1: {  	(tm) =	ssettm $0x7FFFFFFF  }
tec
execute0_lowered:
.L_overlay_start_1:
0x0: {  	(tag) =	ssettag $0x1  }
0x1: {  	s1 =	srdreg.scid  }
0x2: {  	s0 =	stileid.u32;
	s4 =	rddreg [dreg:$0x0]  }
0x3: {  	s2 =	simm.s32 $0x0;
	s9 =	simm.s32 $0x3;
	s10 =	simm.s32 $0x4E20  }
0x4: {  	s11 =	simm.s32 $0x50;
	s12 =	simm.s32 $0x9C40;
	s13 =	simm.s32 $0xC440  }
0x5: {  	s14 =	simm.s32 $0xB040;
	s15 =	simm.s32 $0x4E70;
	s16 =	simm.s32 $0xD840  }
0x6: {  	s17 =	simm.s32 $0x1;
	s18 =	simm.s32 $0x2;
	s19 =	simm.s32 $0xEC40  }
0x7: {  	s20 =	simm.s32 $0x0;
	s3 =	sand.u32 $0x1, s1;
	s5 =	sshll.u32 s0, $0x1  }
.Ltmp0:
0x8: {  	s5 =	sor.u32 s3, s5;
	s6 =	ssub.s32 $0x2, s3;
	(pc) =	sbr.rel .LBB2_1-.Ltmp0, $4  }
0x9: {  	[smem:$0x7FF] =	sst s2;
	s5 =	smul.u32 $0x9C4, s5;
	s31 =	sshrl.u32 s6, $0x1  }
0xa: {  	_ =	strace $0x80000047;
	s3 =	sadd.s32 $0x1A00, s4;
	s8 =	ssub.s32 s6, s31  }
0xb: {  	s7 =	sadd.s32 s5, s4;
	s4 =	sadd.s32 $0x15400, s4;
	s8 =	smax.u32 s8, $0x1  }
0xc: {  	v0 =	vlaneseq.u32;
	s5 =	sadd.s32 $0x29A00, s7;
	s6 =	sadd.s32 $0x3D400, s7;
	s7 =	sadd.s32 $0x50E00, s7  }
.LBB2_12:
0xd: {  	s20 =	sadd.s32 $0x1, s20  }
0xe: {  	p0 =	sne.s32 s20, s8  }
.Ltmp1:
0xf: {  	_ = 	snop;
	(pc) =	sbr.rel @!p0 .LBB2_13-.Ltmp1, $4  }
0x10: {  	[hbm4b:s7+s2] =	stream.linear.scatter [tilespmem:s19], [sflag:$0x3], $0x4E20, $0x38;
	[tilespmem:$0x13A60] =	vst v63  }
0x11: {  	_ =	swait.ge [sflag:s9], $0x4E20  }
0x12: {  	[sflag:s9] =	ssyncset.done $0x0  }
0x13: {  	[sflag:s9] =	ssyncadd.s32 $0xFFFFB1E0  }
.LBB2_1:
0x14: {  	[tilespmem:s2], [sflag:$0x3] =	stream.linear.gather [hbm4b:s5+s2], $0x4E20, $0x38;
	[tilespmem:$0x13A60] =	vst v63  }
0x15: {  	_ =	swait.ge [sflag:s9], $0x4E20  }
0x16: {  	[sflag:s9] =	ssyncset.done $0x0  }
0x17: {  	[sflag:s9] =	ssyncadd.s32 $0xFFFFB1E0  }
0x18: {  	[tilespmem:s10], [sflag:$0x3] =	stream.linear.gather [hbm4b:s6+s2], $0x4E20, $0x38;
	[tilespmem:$0x13A60] =	vst v63  }
0x19: {  	_ =	swait.ge [sflag:s9], $0x4E20  }
0x1a: {  	[sflag:s9] =	ssyncset.done $0x0  }
0x1b: {  	[sflag:s9] =	ssyncadd.s32 $0xFFFFB1E0  }
0x1c: {  	[tilespmem:s12], [sflag:$0x1] =	stream.indirect.gather [hbm4b:s3+s11], $0x40, s2, s11, $0xb8;
	[tilespmem:$0x13A60] =	vst v63  }
0x1d: {  	_ = 	snop  }
0x1e: {  	[tilespmem:s13], [sflag:$0x1] =	stream.indirect.gather [hbm4b:s4+s11], $0x40, s10, s11, $0xb8;
	[tilespmem:$0x13A60] =	vst v63  }
0x1f: {  	_ = 	snop  }
0x20: {  	[tilespmem:s14], [sflag:$0x2] =	stream.indirect.gather [hbm4b:s3+s11], $0x40, s11, s11, $0xb8;
	[tilespmem:$0x13A60] =	vst v63  }
0x21: {  	s21 =	simm.s32 $0x0  }
0x22: {  	[tilespmem:s16], [sflag:$0x2] =	stream.indirect.gather [hbm4b:s4+s11], $0x40, s15, s11, $0xb8;
	[tilespmem:$0x13A60] =	vst v63  }
.LBB2_2:
0x23: {  	_ =	swait.ge [sflag:s17], $0x1400  }
0x24: {  	s22 =	smul.u32 $0x280, s21;
	[sflag:s17] =	ssyncset.done $0x0  }
0x25: {  	[sflag:s17] =	ssyncadd.s32 $0xFFFFEC00  }
0x26: {  	s22 =	sshra.s32 s22, $0x2;
	_ =	swait.ge [sflag:s17], $0x1400  }
0x27: {  	s23 =	simm.s32 $0x0;
	s26 =	sadd.s32 $0xEC40, s22;
	[sflag:s17] =	ssyncset.done $0x0  }
0x28: {  	s24 =	simm.s32 $0x9CC0;
	s25 =	simm.s32 $0xC4C0;
	v1 =	vmov s26;
	[sflag:s17] =	ssyncadd.s32 $0xFFFFEC00  }
.LBB2_3:
0x29: {  	v2 =	vld [tilespmem:s25+$0x10]  }
0x2a: {  	v3 =	vld [tilespmem:s24+$0x10]  }
0x2b: {  	v9 =	vld [tilespmem:s25+$0xFFFFFFB0]  }
0x2c: {  	v10 =	vld [tilespmem:s25+$0x0]  }
0x2d: {  	v4 =	vld [tilespmem:s25+$0xFFFFFFD0]  }
0x2e: {  	v6 =	vld [tilespmem:s24+$0xFFFFFFD0]  }
0x2f: {  	v11 =	vld [tilespmem:s25+$0xFFFFFFA0]  }
0x30: {  	v12 =	vld [tilespmem:s25+$0xFFFFFFC0]  }
0x31: {  	v13 =	vld [tilespmem:s24+$0xFFFFFF80]  }
0x32: {  	v14 =	vld [tilespmem:s25+$0xFFFFFF90]  }
0x33: {  	v15 =	vld [tilespmem:s24+$0xFFFFFF90]  }
0x34: {  	v16 =	vld [tilespmem:s25+$0xFFFFFF80]  }
0x35: {  	v17 =	vld [tilespmem:s24+$0xFFFFFFC0]  }
0x36: {  	v18 =	vld [tilespmem:s24+$0xFFFFFFA0]  }
0x37: {  	v22 =	vld [tilespmem:s24+$0x0]  }
0x38: {  	v23 =	vld [tilespmem:s24+$0xFFFFFFB0]  }
0x39: {  	v25 =	vld [tilespmem:s25+$0x70]  }
0x3a: {  	s28 =	simm.s32 $0x2;
	v8 =	vimm.f32 $0.0e+00;
	v27 =	vld [tilespmem:s24+$0x70]  }
0x3b: {  	s1 =	simm.s32 $0x3;
	v5 =	vmov s28;
	v3 =	vmul.bf16 v2, v3;
	v6 =	vmul.bf16 v4, v6  }
0x3c: {  	s26 =	simm.s32 $0x1;
	v7 =	vmov s1;
	v14 =	vmul.bf16 v14, v15;
	v13 =	vmul.bf16 v16, v13  }
0x3d: {  	s28 =	simm.s32 $0x5;
	v2 =	vmov s26;
	v12 =	vmul.bf16 v12, v17;
	v10 =	vmul.bf16 v10, v22  }
0x3e: {  	v19 =	vld [tilespmem:s25+$0xFFFFFFE0];
	v4 =	vmov s28;
	v11 =	vmul.bf16 v11, v18;
	v9 =	vmul.bf16 v9, v23  }
0x3f: {  	v20 =	vld [tilespmem:s24+$0xFFFFFFE0];
	v25 =	vmul.bf16 v25, v27;
	v21 =	vunpack.i.u.bf16.f32 v3;
	v3 =	vunpack.i.l.bf16.f32 v3  }
0x40: {  	v15 =	vld [tilespmem:s25+$0x20];
	v24 =	vunpack.i.u.bf16.f32 v6;
	v6 =	vunpack.i.l.bf16.f32 v6;
	v57 =	vunpack.i.u.bf16.f32 v14  }
0x41: {  	v16 =	vld [tilespmem:s24+$0x20];
	v14 =	vunpack.i.l.bf16.f32 v14;
	v26 =	vunpack.i.u.bf16.f32 v12;
	v12 =	vunpack.i.l.bf16.f32 v12  }
0x42: {  	v58 =	vld [tilespmem:s25+$0x30];
	v61 =	vunpack.i.u.bf16.f32 v25;
	v21 =	vadd.f32 v3, v21;
	v17 =	vadd.f32 v6, v24  }
0x43: {  	s0 =	simm.s32 $0x6;
	v60 =	vld [tilespmem:s24+$0x40];
	v6 =	vunpack.i.l.bf16.f32 v13;
	v13 =	vunpack.i.u.bf16.f32 v13;
	v12 =	vadd.f32 v12, v26  }
0x44: {  	s1 =	simm.s32 $0x7;
	v22 =	vld [tilespmem:s24+$0xFFFFFFF0];
	v3 =	vmov s0;
	v14 =	vadd.f32 v14, v57;
	v13 =	vadd.f32 v6, v13  }
0x45: {  	v18 =	vld [tilespmem:s24+$0x30];
	v6 =	vmov s1;
	v12 =	vadd.f32 v17, v12;
	v17 =	vunpack.i.u.bf16.f32 v10  }
0x46: {  	v23 =	vld [tilespmem:s24+$0x50];
	v10 =	vunpack.i.l.bf16.f32 v10;
	v15 =	vmul.bf16 v15, v16;
	v16 =	vmul.bf16 v19, v20  }
0x47: {  	v19 =	vunpack.i.l.bf16.f32 v11;
	v13 =	vadd.f32 v14, v13;
	v14 =	vld [tilespmem:s25+$0xFFFFFFF0];
	v10 =	vadd.f32 v10, v17  }
0x48: {  	s29 =	sadd.s32 $0x100, s24;
	v20 =	vunpack.i.u.bf16.f32 v9;
	v11 =	vunpack.i.u.bf16.f32 v11;
	v9 =	vunpack.i.l.bf16.f32 v9;
	v17 =	vld [tilespmem:s25+$0x50]  }
0x49: {  	v62 =	vld [tilespmem:s29+$0x10];
	v59 =	vunpack.i.u.bf16.f32 v15;
	v15 =	vunpack.i.l.bf16.f32 v15;
	v21 =	vadd.f32 v21, v10  }
0x4a: {  	v10 =	vadd.f32 v19, v11;
	v11 =	vld [tilespmem:s25+$0x40];
	v19 =	vunpack.i.l.bf16.f32 v16;
	v16 =	vunpack.i.u.bf16.f32 v16  }
0x4b: {  	v18 =	vmul.bf16 v58, v18;
	v15 =	vadd.f32 v15, v59;
	v16 =	vadd.f32 v19, v16;
	v19 =	vld [tilespmem:s24+$0x60]  }
0x4c: {  	s28 =	sadd.s32 $0x100, s25;
	v20 =	vadd.f32 v9, v20;
	v10 =	vadd.f32 v10, v13;
	v13 =	vld [tilespmem:s25+$0x60];
	v14 =	vmul.bf16 v14, v22  }
0x4d: {  	v21 =	vadd.f32 v15, v21;
	v22 =	vld [tilespmem:s28+$0x10];
	v12 =	vadd.f32 v16, v12;
	v17 =	vmul.bf16 v17, v23  }
0x4e: {  	v63 =	vld [tilespmem:s29+$0xFFFFFFD0];
	v23 =	vadd.f32 v20, v10;
	v16 =	vunpack.i.l.bf16.f32 v14;
	v14 =	vunpack.i.u.bf16.f32 v14  }
0x4f: {  	v28 =	vld [tilespmem:s28+$0xFFFFFFD0];
	v14 =	vadd.f32 v16, v14;
	v16 =	vunpack.i.u.bf16.f32 v17;
	v17 =	vunpack.i.l.bf16.f32 v17  }
0x50: {  	v9 =	vld [tilespmem:s28+$0xFFFFFFB0];
	v20 =	vunpack.i.l.bf16.f32 v18;
	v11 =	vmul.bf16 v11, v60;
	v17 =	vadd.f32 v17, v16  }
0x51: {  	v15 =	vld [tilespmem:s29+$0xFFFFFF80];
	(xrf2) =	vadd.scan.msk.f32 $0xffff, v23;
	v13 =	vmul.bf16 v13, v19;
	v29 =	vadd.f32 v14, v12;
	v14 =	vunpack.i.u.bf16.f32 v18  }
0x52: {  	v10 =	vld [tilespmem:s28+$0x0];
	v16 =	vmul.bf16 v22, v62;
	v22 =	vunpack.i.l.bf16.f32 v11;
	v11 =	vunpack.i.u.bf16.f32 v11  }
0x53: {  	v12 =	vld [tilespmem:s28+$0xFFFFFFA0];
	v18 =	vadd.f32 v20, v14;
	v19 =	vunpack.i.u.bf16.f32 v13;
	v20 =	vunpack.i.l.bf16.f32 v13  }
0x54: {  	v14 =	vld [tilespmem:s28+$0xFFFFFFC0];
	v30 =	vadd.f32 v22, v11;
	v13 =	vunpack.i.u.bf16.f32 v16;
	v26 =	vunpack.i.l.bf16.f32 v16;
	(xrf2) =	vadd.scan.msk.f32 $0xffff, v29  }
0x55: {  	v23 =	vunpack.i.l.bf16.f32 v25;
	v16 =	vld [tilespmem:s28+$0xFFFFFF90];
	v11 =	vadd.f32 v26, v13;
	v13 =	vadd.f32 v18, v21  }
0x56: {  	s31 =	simm.s32 $0x8;
	s30 =	simm.s32 $0x0;
	s26 =	simm.s32 $0x4;
	v22 =	vmul.bf16 v28, v63;
	v18 =	vld [tilespmem:s29+$0xFFFFFF90];
	v21 =	vadd.f32 v17, v30;
	v17 =	vadd.f32 v23, v61  }
.LBB2_4:
0x57: {  	s1 =	sadd.s32 $0x1, s31  }
0x58: {  	p0 =	sne.s32 s31, $0xC;
	v23 =	vld [tilespmem:s28+$0xFFFFFF80];
	v19 =	vadd.f32 v20, v19;
	s0 =	smov.u32 s31;
	s31 =	sadd.s32 $0x4, s31  }
0x59: {  	v20 =	vmov s1;
	s1 =	sadd.s32 $0x2, s0;
	v24 =	vld [tilespmem:s29+$0xFFFFFFC0];
	v25 =	vunpack.i.u.bf16.f32 v22;
	v22 =	vunpack.i.l.bf16.f32 v22  }
0x5a: {  	v26 =	vmov s1;
	s1 =	sadd.s32 $0x3, s0;
	v27 =	vld [tilespmem:s29+$0xFFFFFFA0];
	v22 =	vadd.f32 v22, v25;
	v19 =	vadd.f32 v19, v21  }
0x5b: {  	v21 =	vmov s1;
	v25 =	vld [tilespmem:s28+$0xFFFFFFE0];
	v28, _, _ =	vpop (xrf2);
	(xrf2) =	vadd.scan.msk.f32 $0xffff, v13  }
0x5c: {  	v13 =	vmul.bf16 v16, v18;
	v16 =	vld [tilespmem:s29+$0xFFFFFFE0];
	v17 =	vadd.f32 v17, v19;
	v18 =	vbroadcast v28, $0xF  }
0x5d: {  	vm0 =	veq.s32 v7, v0;
	v7 =	vmovc v6;
	v28 =	vmov s30;
	v6 =	vmovc v21;
	s30 =	smov.u32 s26;
	s26 =	smov.u32 s0;
	v15 =	vmul.bf16 v23, v15;
	v19 =	vld [tilespmem:s29+$0x0]  }
0x5e: {  	vm1 =	veq.s32 v5, v0;
	vm2 =	veq.s32 v28, v0;
	v21 =	vld [tilespmem:s29+$0xFFFFFFB0];
	v14 =	vmul.bf16 v14, v24;
	v23, _, _ =	vpop (xrf2);
	(xrf2) =	vadd.scan.msk.f32 $0xffff, v17  }
0x5f: {  	v5 =	vmovc v3;
	v3 =	vmovc v26;
	v24 =	vunpack.i.u.bf16.f32 v13;
	v8 =	vsel vm2, v18, v8;
	v17 =	vunpack.i.l.bf16.f32 v15;
	v28 =	vld [tilespmem:s28+$0x20]  }
0x60: {  	v13 =	vunpack.i.l.bf16.f32 v13;
	v15 =	vunpack.i.u.bf16.f32 v15;
	v18 =	vunpack.i.u.bf16.f32 v14;
	v26 =	vld [tilespmem:s29+$0x20]  }
0x61: {  	v23 =	vbroadcast v23, $0xF;
	v15 =	vadd.f32 v17, v15;
	v14 =	vunpack.i.l.bf16.f32 v14;
	v17 =	vld [tilespmem:s28+$0x70]  }
0x62: {  	vm2 =	veq.s32 v2, v0;
	v2 =	vmovc v4;
	v13 =	vadd.f32 v13, v24;
	v14 =	vadd.f32 v14, v18;
	v18 =	vld [tilespmem:s29+$0x70]  }
0x63: {  	v4 =	vmovc v20;
	v12 =	vmul.bf16 v12, v27;
	v8 =	vsel vm2, v23, v8;
	v10 =	vmul.bf16 v10, v19;
	v19 =	vld [tilespmem:s28+$0x30]  }
0x64: {  	v13 =	vadd.f32 v13, v15;
	v9 =	vmul.bf16 v9, v21;
	v14 =	vadd.f32 v22, v14;
	v15 =	vld [tilespmem:s29+$0xFFFFFFF0]  }
0x65: {  	v21 =	vunpack.i.u.bf16.f32 v10;
	v10 =	vunpack.i.l.bf16.f32 v10;
	v20 =	vld [tilespmem:s28+$0xFFFFFFF0];
	v22 =	vmul.bf16 v28, v26;
	v23, _, _ =	vpop (xrf2)  }
0x66: {  	v16 =	vmul.bf16 v25, v16;
	v10 =	vadd.f32 v10, v21;
	v21 =	vld [tilespmem:s29+$0x30];
	v23 =	vbroadcast v23, $0xF  }
0x67: {  	v24 =	vunpack.i.l.bf16.f32 v12;
	v25 =	vunpack.i.u.bf16.f32 v9;
	v26 =	vld [tilespmem:s28+$0x50];
	v17 =	vmul.bf16 v17, v18  }
0x68: {  	v12 =	vunpack.i.u.bf16.f32 v12;
	v11 =	vadd.f32 v11, v10;
	v10 =	vld [tilespmem:s29+$0x50];
	v8 =	vsel vm1, v23, v8;
	v18, _, _ =	vpop (xrf2)  }
0x69: {  	v12 =	vadd.f32 v24, v12;
	v23 =	vunpack.i.l.bf16.f32 v16;
	v24 =	vld [tilespmem:s28+$0x40];
	v18 =	vbroadcast v18, $0xF  }
0x6a: {  	v27 =	vunpack.i.u.bf16.f32 v22;
	v22 =	vunpack.i.l.bf16.f32 v22;
	v16 =	vunpack.i.u.bf16.f32 v16;
	v28 =	vld [tilespmem:s29+$0x40]  }
0x6b: {  	v12 =	vadd.f32 v12, v13;
	v9 =	vunpack.i.l.bf16.f32 v9;
	v13 =	vld [tilespmem:s28+$0x60];
	v8 =	vsel vm0, v18, v8  }
0x6c: {  	v16 =	vadd.f32 v23, v16;
	v15 =	vmul.bf16 v20, v15;
	v18 =	vmul.bf16 v19, v21;
	s28 =	sadd.s32 $0x100, s28;
	v19 =	vld [tilespmem:s29+$0x60]  }
0x6d: {  	v22 =	vadd.f32 v22, v27;
	v23 =	vunpack.i.u.bf16.f32 v17;
	v21 =	vadd.f32 v9, v25;
	s29 =	sadd.s32 $0x100, s29;
	v20 =	vld [tilespmem:s28+$0x10]  }
0x6e: {  	v14 =	vadd.f32 v16, v14;
	v16 =	vunpack.i.l.bf16.f32 v15;
	v26 =	vmul.bf16 v26, v10;
	v25 =	vld [tilespmem:s29+$0x10]  }
0x6f: {  	v15 =	vunpack.i.u.bf16.f32 v15;
	v12 =	vadd.f32 v21, v12;
	v21 =	vunpack.i.l.bf16.f32 v18;
	v9 =	vld [tilespmem:s28+$0xFFFFFFB0]  }
0x70: {  	v15 =	vadd.f32 v16, v15;
	v16 =	vunpack.i.u.bf16.f32 v26;
	v26 =	vunpack.i.l.bf16.f32 v26;
	v10 =	vld [tilespmem:s28+$0x0]  }
0x71: {  	v22 =	vadd.f32 v22, v11;
	v11 =	vmul.bf16 v24, v28;
	v24 =	vadd.f32 v26, v16;
	v27 =	vld [tilespmem:s28+$0xFFFFFFD0];
	(xrf2) =	vadd.scan.msk.f32 $0xffff, v12  }
0x72: {  	v15 =	vadd.f32 v15, v14;
	v14 =	vunpack.i.u.bf16.f32 v18;
	v13 =	vmul.bf16 v13, v19;
	v26 =	vld [tilespmem:s29+$0xFFFFFFD0]  }
.Ltmp2:
0x73: {  	v18 =	vadd.f32 v21, v14;
	v21 =	vunpack.i.l.bf16.f32 v11;
	v12 =	vld [tilespmem:s28+$0xFFFFFFA0];
	v16 =	vmul.bf16 v20, v25;
	(pc) =	sbr.rel @p0 .LBB2_4-.Ltmp2, $4  }
0x74: {  	v11 =	vunpack.i.u.bf16.f32 v11;
	v19 =	vunpack.i.u.bf16.f32 v13;
	v20 =	vunpack.i.l.bf16.f32 v13;
	v14 =	vld [tilespmem:s28+$0xFFFFFFC0];
	(xrf2) =	vadd.scan.msk.f32 $0xffff, v15  }
0x75: {  	v21 =	vadd.f32 v21, v11;
	v15 =	vld [tilespmem:s29+$0xFFFFFF80];
	v13 =	vunpack.i.u.bf16.f32 v16;
	v25 =	vunpack.i.l.bf16.f32 v16  }
0x76: {  	v17 =	vunpack.i.l.bf16.f32 v17;
	v16 =	vld [tilespmem:s28+$0xFFFFFF90];
	v11 =	vadd.f32 v25, v13;
	v13 =	vadd.f32 v18, v22  }
0x77: {  	v17 =	vadd.f32 v17, v23;
	v21 =	vadd.f32 v24, v21;
	v18 =	vld [tilespmem:s29+$0xFFFFFF90];
	v22 =	vmul.bf16 v27, v26  }
0x78: {  	v23 =	vld [tilespmem:s28+$0xFFFFFF80]  }
0x79: {  	v24 =	vld [tilespmem:s29+$0xFFFFFFC0]  }
0x7a: {  	v25 =	vld [tilespmem:s29+$0xFFFFFFA0]  }
0x7b: {  	v26 =	vld [tilespmem:s28+$0xFFFFFFE0]  }
0x7c: {  	v27 =	vld [tilespmem:s29+$0xFFFFFFE0]  }
0x7d: {  	v28 =	vld [tilespmem:s29+$0x0]  }
0x7e: {  	v43 =	vld [tilespmem:s29+$0xFFFFFFB0]  }
0x7f: {  	v45 =	vld [tilespmem:s28+$0x20]  }
0x80: {  	v46 =	vld [tilespmem:s29+$0x20]  }
0x81: {  	v48 =	vld [tilespmem:s28+$0x70]  }
0x82: {  	v50 =	vld [tilespmem:s29+$0x70]  }
0x83: {  	v57 =	vld [tilespmem:s28+$0x50]  }
0x84: {  	v19 =	vadd.f32 v20, v19;
	v59 =	vld [tilespmem:s29+$0x50]  }
0x85: {  	v29 =	vunpack.i.u.bf16.f32 v22;
	v16 =	vmul.bf16 v16, v18;
	v15 =	vmul.bf16 v23, v15  }
0x86: {  	v44 =	vunpack.i.l.bf16.f32 v22;
	v14 =	vmul.bf16 v14, v24;
	v10 =	vmul.bf16 v10, v28  }
0x87: {  	v19 =	vadd.f32 v19, v21;
	v12 =	vmul.bf16 v12, v25;
	v9 =	vmul.bf16 v9, v43  }
0x88: {  	v22 =	vadd.f32 v44, v29;
	v18 =	vmul.bf16 v45, v46;
	v58 =	vmul.bf16 v26, v27  }
0x89: {  	v51 =	vld [tilespmem:s28+$0x30];
	v17 =	vadd.f32 v17, v19;
	v21 =	vmul.bf16 v48, v50;
	v33 =	vmul.bf16 v57, v59  }
0x8a: {  	v52 =	vld [tilespmem:s29+$0xFFFFFFF0];
	v49 =	vunpack.i.u.bf16.f32 v16;
	v16 =	vunpack.i.l.bf16.f32 v16;
	v47 =	vunpack.i.l.bf16.f32 v15  }
0x8b: {  	v53 =	vld [tilespmem:s28+$0xFFFFFFF0];
	v15 =	vunpack.i.u.bf16.f32 v15;
	v30 =	vunpack.i.u.bf16.f32 v14;
	v14 =	vunpack.i.l.bf16.f32 v14  }
0x8c: {  	v55 =	vld [tilespmem:s29+$0x30];
	v16 =	vadd.f32 v16, v49;
	v54 =	vunpack.i.u.bf16.f32 v10;
	v10 =	vunpack.i.l.bf16.f32 v10  }
0x8d: {  	v61 =	vld [tilespmem:s28+$0x40];
	v56 =	vunpack.i.l.bf16.f32 v12;
	v12 =	vunpack.i.u.bf16.f32 v12;
	v60 =	vunpack.i.u.bf16.f32 v9  }
0x8e: {  	v63 =	vld [tilespmem:s29+$0x40];
	v62 =	vunpack.i.l.bf16.f32 v58;
	v23 =	vunpack.i.u.bf16.f32 v58;
	v9 =	vunpack.i.l.bf16.f32 v9  }
0x8f: {  	v31 =	vld [tilespmem:s29+$0x60];
	v32 =	vunpack.i.u.bf16.f32 v21;
	v15 =	vadd.f32 v47, v15;
	v14 =	vadd.f32 v14, v30  }
0x90: {  	v28 =	vld [tilespmem:s28+$0x60];
	v36 =	vunpack.i.u.bf16.f32 v33;
	v10 =	vadd.f32 v10, v54;
	v12 =	vadd.f32 v56, v12  }
0x91: {  	v23 =	vadd.f32 v62, v23;
	v30 =	vunpack.i.u.bf16.f32 v18;
	v18 =	vunpack.i.l.bf16.f32 v18  }
0x92: {  	v37 =	vunpack.i.l.bf16.f32 v33;
	v9 =	vadd.f32 v9, v60;
	v18 =	vadd.f32 v18, v30  }
0x93: {  	v15 =	vadd.f32 v16, v15;
	v14 =	vadd.f32 v22, v14;
	v16 =	vmul.bf16 v53, v52  }
0x94: {  	v10 =	vadd.f32 v11, v10;
	v22 =	vmul.bf16 v51, v55;
	v11 =	vmul.bf16 v61, v63  }
0x95: {  	v20 =	vmul.bf16 v28, v31;
	v12 =	vadd.f32 v12, v15;
	v14 =	vadd.f32 v23, v14  }
0x96: {  	v34 =	vunpack.i.l.bf16.f32 v16;
	v35 =	vunpack.i.u.bf16.f32 v16;
	v38 =	vunpack.i.l.bf16.f32 v11  }
0x97: {  	v11 =	vunpack.i.u.bf16.f32 v11;
	v39 =	vunpack.i.l.bf16.f32 v22;
	v15 =	vadd.f32 v37, v36  }
0x98: {  	v10 =	vadd.f32 v18, v10;
	v40 =	vunpack.i.u.bf16.f32 v20;
	v11 =	vadd.f32 v38, v11  }
0x99: {  	v41 =	vunpack.i.l.bf16.f32 v20;
	v9 =	vadd.f32 v9, v12;
	v12 =	vadd.f32 v34, v35  }
0x9a: {  	v42 =	vunpack.i.u.bf16.f32 v22;
	v43 =	vadd.f32 v41, v40;
	v11 =	vadd.f32 v15, v11  }
0x9b: {  	(xrf2) =	vadd.scan.msk.f32 $0xffff, v13;
	v45 =	vunpack.i.l.bf16.f32 v21;
	v44 =	vadd.f32 v39, v42;
	v12 =	vadd.f32 v12, v14  }
0x9c: {  	(xrf2) =	vadd.scan.msk.f32 $0xffff, v17;
	v14 =	vadd.f32 v45, v32;
	v11 =	vadd.f32 v43, v11  }
0x9d: {  	v46 =	vadd.f32 v44, v10;
	(xrf2) =	vadd.scan.msk.f32 $0xffff, v9  }
0x9e: {  	(xrf2) =	vadd.scan.msk.f32 $0xffff, v12;
	v47 =	vadd.f32 v14, v11  }
0x9f: {  	(xrf2) =	vadd.scan.msk.f32 $0xffff, v46  }
0xa0: {  	(xrf2) =	vadd.scan.msk.f32 $0xffff, v47;
	_ =	sdelay $0x2  }
0xa1: {  	v48, _, _ =	vpop (xrf2)  }
0xa2: {  	v50 =	vmov s30;
	v49, _, _ =	vpop (xrf2);
	v9 =	vbroadcast v48, $0xF  }
0xa3: {  	vm0 =	veq.s32 v7, v0;
	vm1 =	veq.s32 v50, v0;
	v51, _, _ =	vpop (xrf2);
	v52 =	vbroadcast v49, $0xF  }
0xa4: {  	vm11 =	veq.s32 v2, v0;
	v2 =	vbroadcast v51, $0xF;
	v53, _, _ =	vpop (xrf2);
	v8 =	vsel vm1, v9, v8  }
0xa5: {  	vm2 =	veq.s32 v5, v0;
	v56 =	vbroadcast v53, $0xF;
	v55 =	vsel vm11, v52, v8;
	v54, _, _ =	vpop (xrf2)  }
0xa6: {  	s0 =	sshll.u32 s23, $0x4;
	s23 =	sadd.s32 $0x1, s23;
	v59 =	vmov s26;
	v2 =	vsel vm2, v2, v55;
	v58 =	vbroadcast v54, $0xF;
	v57, _, _ =	vpop (xrf2)  }
0xa7: {  	p0 =	sne.s32 s23, $0x5;
	vm12 =	veq.s32 v59, v0;
	v2 =	vsel vm0, v56, v2;
	v60 =	vbroadcast v57, $0xF;
	v61, _, _ =	vpop (xrf2)  }
.Ltmp3:
0xa8: {  	vm13 =	veq.s32 v4, v0;
	v2 =	vsel vm12, v58, v2;
	v62 =	vbroadcast v61, $0xF;
	v63, _, _ =	vpop (xrf2);
	(pc) =	sbr.rel @p0 .LBB2_3-.Ltmp3, $4  }
0xa9: {  	vm14 =	veq.s32 v3, v0;
	v2 =	vsel vm13, v60, v2;
	v3 =	vbroadcast v63, $0xF  }
0xaa: {  	vm15 =	veq.s32 v6, v0;
	v2 =	vsel vm14, v62, v2  }
0xab: {  	s0 =	sand.u32 $0x3FFFFFF0, s0;
	v2 =	vsel vm15, v3, v2  }
0xac: {  	s24 =	sadd.s32 $0x400, s24;
	s25 =	sadd.s32 $0x400, s25;
	[tilespmem:v1+s0+$0x0 ss:$0x1] =	vst.idx.msk $0xffff, v2  }
0xad: {  	p0 =	seq.s32 s21, $0x7C  }
0xae: {  	s0 =	smul.u32 @!p0 $0xA0, s21;
	_ =	sdelay $0x1  }
0xaf: {  	s23 =	simm.s32 @!p0 $0x50;
	s24 =	simm.s32 @!p0 $0x9C40;
	s1 =	sadd.s32 @!p0 $0xA0, s0  }
0xb0: {  	[tilespmem:s24], [sflag:$0x1] =	stream.indirect.gather @!p0 [hbm4b:s3+s23], $0x40, s1, s23, $0xb8;
	[tilespmem:$0x13A60] =	vst v63  }
0xb1: {  	s0 =	sadd.s32 @!p0 $0x4EC0, s0;
	s1 =	simm.s32 @!p0 $0xC440  }
0xb2: {  	[tilespmem:s1], [sflag:$0x1] =	stream.indirect.gather @!p0 [hbm4b:s4+s23], $0x40, s0, s23, $0xb8;
	[tilespmem:$0x13A60] =	vst v63  }
0xb3: {  	_ =	swait.ge [sflag:s18], $0x1400  }
0xb4: {  	[sflag:s18] =	ssyncset.done $0x0  }
0xb5: {  	[sflag:s18] =	ssyncadd.s32 $0xFFFFEC00  }
0xb6: {  	_ =	swait.ge [sflag:s18], $0x1400  }
0xb7: {  	s31 =	sadd.s32 $0xEC90, s22;
	s22 =	simm.s32 $0x0;
	[sflag:s18] =	ssyncset.done $0x0  }
0xb8: {  	v1 =	vmov s31;
	s24 =	simm.s32 $0xD8C0;
	s23 =	simm.s32 $0xB0C0;
	[sflag:s18] =	ssyncadd.s32 $0xFFFFEC00  }
.LBB2_7:
0xb9: {  	v2 =	vld [tilespmem:s24+$0x10]  }
0xba: {  	v3 =	vld [tilespmem:s23+$0x10]  }
0xbb: {  	v9 =	vld [tilespmem:s24+$0xFFFFFFB0]  }
0xbc: {  	v10 =	vld [tilespmem:s24+$0x0]  }
0xbd: {  	v4 =	vld [tilespmem:s24+$0xFFFFFFD0]  }
0xbe: {  	v6 =	vld [tilespmem:s23+$0xFFFFFFD0]  }
0xbf: {  	v11 =	vld [tilespmem:s24+$0xFFFFFFA0]  }
0xc0: {  	v12 =	vld [tilespmem:s24+$0xFFFFFFC0]  }
0xc1: {  	v13 =	vld [tilespmem:s23+$0xFFFFFF80]  }
0xc2: {  	v14 =	vld [tilespmem:s24+$0xFFFFFF90]  }
0xc3: {  	v15 =	vld [tilespmem:s23+$0xFFFFFF90]  }
0xc4: {  	v16 =	vld [tilespmem:s24+$0xFFFFFF80]  }
0xc5: {  	v17 =	vld [tilespmem:s23+$0xFFFFFFC0]  }
0xc6: {  	v18 =	vld [tilespmem:s23+$0xFFFFFFA0]  }
0xc7: {  	v22 =	vld [tilespmem:s23+$0x0]  }
0xc8: {  	v23 =	vld [tilespmem:s23+$0xFFFFFFB0]  }
0xc9: {  	v25 =	vld [tilespmem:s24+$0x70]  }
0xca: {  	s1 =	simm.s32 $0x2;
	v8 =	vimm.f32 $0.0e+00;
	v27 =	vld [tilespmem:s23+$0x70]  }
0xcb: {  	v5 =	vmov s1;
	s1 =	simm.s32 $0x3;
	v3 =	vmul.bf16 v2, v3;
	v6 =	vmul.bf16 v4, v6  }
0xcc: {  	s0 =	simm.s32 $0x1;
	v7 =	vmov s1;
	v14 =	vmul.bf16 v14, v15;
	v13 =	vmul.bf16 v16, v13  }
0xcd: {  	s25 =	simm.s32 $0x5;
	v2 =	vmov s0;
	v12 =	vmul.bf16 v12, v17;
	v10 =	vmul.bf16 v10, v22  }
0xce: {  	v19 =	vld [tilespmem:s24+$0xFFFFFFE0];
	v4 =	vmov s25;
	v11 =	vmul.bf16 v11, v18;
	v9 =	vmul.bf16 v9, v23  }
0xcf: {  	v20 =	vld [tilespmem:s23+$0xFFFFFFE0];
	v25 =	vmul.bf16 v25, v27;
	v21 =	vunpack.i.u.bf16.f32 v3;
	v3 =	vunpack.i.l.bf16.f32 v3  }
0xd0: {  	v15 =	vld [tilespmem:s24+$0x20];
	v24 =	vunpack.i.u.bf16.f32 v6;
	v6 =	vunpack.i.l.bf16.f32 v6;
	v57 =	vunpack.i.u.bf16.f32 v14  }
0xd1: {  	v16 =	vld [tilespmem:s23+$0x20];
	v14 =	vunpack.i.l.bf16.f32 v14;
	v26 =	vunpack.i.u.bf16.f32 v12;
	v12 =	vunpack.i.l.bf16.f32 v12  }
0xd2: {  	v58 =	vld [tilespmem:s24+$0x30];
	v61 =	vunpack.i.u.bf16.f32 v25;
	v21 =	vadd.f32 v3, v21;
	v17 =	vadd.f32 v6, v24  }
0xd3: {  	s26 =	simm.s32 $0x6;
	v60 =	vld [tilespmem:s23+$0x40];
	v6 =	vunpack.i.l.bf16.f32 v13;
	v13 =	vunpack.i.u.bf16.f32 v13;
	v12 =	vadd.f32 v12, v26  }
0xd4: {  	s31 =	simm.s32 $0x7;
	v22 =	vld [tilespmem:s23+$0xFFFFFFF0];
	v3 =	vmov s26;
	v14 =	vadd.f32 v14, v57;
	v13 =	vadd.f32 v6, v13  }
0xd5: {  	v18 =	vld [tilespmem:s23+$0x30];
	v6 =	vmov s31;
	v12 =	vadd.f32 v17, v12;
	v17 =	vunpack.i.u.bf16.f32 v10  }
0xd6: {  	v23 =	vld [tilespmem:s23+$0x50];
	v10 =	vunpack.i.l.bf16.f32 v10;
	v15 =	vmul.bf16 v15, v16;
	v16 =	vmul.bf16 v19, v20  }
0xd7: {  	v19 =	vunpack.i.l.bf16.f32 v11;
	v13 =	vadd.f32 v14, v13;
	v14 =	vld [tilespmem:s24+$0xFFFFFFF0];
	v10 =	vadd.f32 v10, v17  }
0xd8: {  	s28 =	sadd.s32 $0x100, s23;
	v20 =	vunpack.i.u.bf16.f32 v9;
	v11 =	vunpack.i.u.bf16.f32 v11;
	v9 =	vunpack.i.l.bf16.f32 v9;
	v17 =	vld [tilespmem:s24+$0x50]  }
0xd9: {  	v62 =	vld [tilespmem:s28+$0x10];
	v59 =	vunpack.i.u.bf16.f32 v15;
	v15 =	vunpack.i.l.bf16.f32 v15;
	v21 =	vadd.f32 v21, v10  }
0xda: {  	v10 =	vadd.f32 v19, v11;
	v11 =	vld [tilespmem:s24+$0x40];
	v19 =	vunpack.i.l.bf16.f32 v16;
	v16 =	vunpack.i.u.bf16.f32 v16  }
0xdb: {  	v18 =	vmul.bf16 v58, v18;
	v15 =	vadd.f32 v15, v59;
	v16 =	vadd.f32 v19, v16;
	v19 =	vld [tilespmem:s23+$0x60]  }
0xdc: {  	s26 =	sadd.s32 $0x100, s24;
	v20 =	vadd.f32 v9, v20;
	v10 =	vadd.f32 v10, v13;
	v13 =	vld [tilespmem:s24+$0x60];
	v14 =	vmul.bf16 v14, v22  }
0xdd: {  	v21 =	vadd.f32 v15, v21;
	v22 =	vld [tilespmem:s26+$0x10];
	v12 =	vadd.f32 v16, v12;
	v17 =	vmul.bf16 v17, v23  }
0xde: {  	v63 =	vld [tilespmem:s28+$0xFFFFFFD0];
	v23 =	vadd.f32 v20, v10;
	v16 =	vunpack.i.l.bf16.f32 v14;
	v14 =	vunpack.i.u.bf16.f32 v14  }
0xdf: {  	v28 =	vld [tilespmem:s26+$0xFFFFFFD0];
	v14 =	vadd.f32 v16, v14;
	v16 =	vunpack.i.u.bf16.f32 v17;
	v17 =	vunpack.i.l.bf16.f32 v17  }
0xe0: {  	v9 =	vld [tilespmem:s26+$0xFFFFFFB0];
	v20 =	vunpack.i.l.bf16.f32 v18;
	v11 =	vmul.bf16 v11, v60;
	v17 =	vadd.f32 v17, v16  }
0xe1: {  	v15 =	vld [tilespmem:s28+$0xFFFFFF80];
	(xrf2) =	vadd.scan.msk.f32 $0xffff, v23;
	v13 =	vmul.bf16 v13, v19;
	v29 =	vadd.f32 v14, v12;
	v14 =	vunpack.i.u.bf16.f32 v18  }
0xe2: {  	v10 =	vld [tilespmem:s26+$0x0];
	v16 =	vmul.bf16 v22, v62;
	v22 =	vunpack.i.l.bf16.f32 v11;
	v11 =	vunpack.i.u.bf16.f32 v11  }
0xe3: {  	v12 =	vld [tilespmem:s26+$0xFFFFFFA0];
	v18 =	vadd.f32 v20, v14;
	v19 =	vunpack.i.u.bf16.f32 v13;
	v20 =	vunpack.i.l.bf16.f32 v13  }
0xe4: {  	v14 =	vld [tilespmem:s26+$0xFFFFFFC0];
	v30 =	vadd.f32 v22, v11;
	v13 =	vunpack.i.u.bf16.f32 v16;
	v26 =	vunpack.i.l.bf16.f32 v16;
	(xrf2) =	vadd.scan.msk.f32 $0xffff, v29  }
0xe5: {  	v23 =	vunpack.i.l.bf16.f32 v25;
	v16 =	vld [tilespmem:s26+$0xFFFFFF90];
	v11 =	vadd.f32 v26, v13;
	v13 =	vadd.f32 v18, v21  }
0xe6: {  	s30 =	simm.s32 $0x8;
	s29 =	simm.s32 $0x0;
	s25 =	simm.s32 $0x4;
	v22 =	vmul.bf16 v28, v63;
	v18 =	vld [tilespmem:s28+$0xFFFFFF90];
	v21 =	vadd.f32 v17, v30;
	v17 =	vadd.f32 v23, v61  }
.LBB2_8:
0xe7: {  	s0 =	sadd.s32 $0x1, s30  }
0xe8: {  	p1 =	sne.s32 s30, $0xC;
	v23 =	vld [tilespmem:s26+$0xFFFFFF80];
	v19 =	vadd.f32 v20, v19;
	s1 =	smov.u32 s30;
	s30 =	sadd.s32 $0x4, s30  }
0xe9: {  	v20 =	vmov s0;
	s0 =	sadd.s32 $0x2, s1;
	v24 =	vld [tilespmem:s28+$0xFFFFFFC0];
	v25 =	vunpack.i.u.bf16.f32 v22;
	v22 =	vunpack.i.l.bf16.f32 v22  }
0xea: {  	v26 =	vmov s0;
	s0 =	sadd.s32 $0x3, s1;
	v27 =	vld [tilespmem:s28+$0xFFFFFFA0];
	v22 =	vadd.f32 v22, v25;
	v19 =	vadd.f32 v19, v21  }
0xeb: {  	v21 =	vmov s0;
	v25 =	vld [tilespmem:s26+$0xFFFFFFE0];
	v28, _, _ =	vpop (xrf2);
	(xrf2) =	vadd.scan.msk.f32 $0xffff, v13  }
0xec: {  	v13 =	vmul.bf16 v16, v18;
	v16 =	vld [tilespmem:s28+$0xFFFFFFE0];
	v17 =	vadd.f32 v17, v19;
	v18 =	vbroadcast v28, $0xF  }
0xed: {  	vm0 =	veq.s32 v7, v0;
	v7 =	vmovc v6;
	v28 =	vmov s29;
	v6 =	vmovc v21;
	s29 =	smov.u32 s25;
	s25 =	smov.u32 s1;
	v15 =	vmul.bf16 v23, v15;
	v19 =	vld [tilespmem:s28+$0x0]  }
0xee: {  	vm1 =	veq.s32 v5, v0;
	vm2 =	veq.s32 v28, v0;
	v21 =	vld [tilespmem:s28+$0xFFFFFFB0];
	v14 =	vmul.bf16 v14, v24;
	v23, _, _ =	vpop (xrf2);
	(xrf2) =	vadd.scan.msk.f32 $0xffff, v17  }
0xef: {  	v5 =	vmovc v3;
	v3 =	vmovc v26;
	v24 =	vunpack.i.u.bf16.f32 v13;
	v8 =	vsel vm2, v18, v8;
	v17 =	vunpack.i.l.bf16.f32 v15;
	v28 =	vld [tilespmem:s26+$0x20]  }
0xf0: {  	v13 =	vunpack.i.l.bf16.f32 v13;
	v15 =	vunpack.i.u.bf16.f32 v15;
	v18 =	vunpack.i.u.bf16.f32 v14;
	v26 =	vld [tilespmem:s28+$0x20]  }
0xf1: {  	v23 =	vbroadcast v23, $0xF;
	v15 =	vadd.f32 v17, v15;
	v14 =	vunpack.i.l.bf16.f32 v14;
	v17 =	vld [tilespmem:s26+$0x70]  }
0xf2: {  	vm2 =	veq.s32 v2, v0;
	v2 =	vmovc v4;
	v13 =	vadd.f32 v13, v24;
	v14 =	vadd.f32 v14, v18;
	v18 =	vld [tilespmem:s28+$0x70]  }
0xf3: {  	v4 =	vmovc v20;
	v12 =	vmul.bf16 v12, v27;
	v8 =	vsel vm2, v23, v8;
	v10 =	vmul.bf16 v10, v19;
	v19 =	vld [tilespmem:s26+$0x30]  }
0xf4: {  	v13 =	vadd.f32 v13, v15;
	v9 =	vmul.bf16 v9, v21;
	v14 =	vadd.f32 v22, v14;
	v15 =	vld [tilespmem:s28+$0xFFFFFFF0]  }
0xf5: {  	v21 =	vunpack.i.u.bf16.f32 v10;
	v10 =	vunpack.i.l.bf16.f32 v10;
	v20 =	vld [tilespmem:s26+$0xFFFFFFF0];
	v22 =	vmul.bf16 v28, v26;
	v23, _, _ =	vpop (xrf2)  }
0xf6: {  	v16 =	vmul.bf16 v25, v16;
	v10 =	vadd.f32 v10, v21;
	v21 =	vld [tilespmem:s28+$0x30];
	v23 =	vbroadcast v23, $0xF  }
0xf7: {  	v24 =	vunpack.i.l.bf16.f32 v12;
	v25 =	vunpack.i.u.bf16.f32 v9;
	v26 =	vld [tilespmem:s26+$0x50];
	v17 =	vmul.bf16 v17, v18  }
0xf8: {  	v12 =	vunpack.i.u.bf16.f32 v12;
	v11 =	vadd.f32 v11, v10;
	v10 =	vld [tilespmem:s28+$0x50];
	v8 =	vsel vm1, v23, v8;
	v18, _, _ =	vpop (xrf2)  }
0xf9: {  	v12 =	vadd.f32 v24, v12;
	v23 =	vunpack.i.l.bf16.f32 v16;
	v24 =	vld [tilespmem:s26+$0x40];
	v18 =	vbroadcast v18, $0xF  }
0xfa: {  	v27 =	vunpack.i.u.bf16.f32 v22;
	v22 =	vunpack.i.l.bf16.f32 v22;
	v16 =	vunpack.i.u.bf16.f32 v16;
	v28 =	vld [tilespmem:s28+$0x40]  }
0xfb: {  	v12 =	vadd.f32 v12, v13;
	v9 =	vunpack.i.l.bf16.f32 v9;
	v13 =	vld [tilespmem:s26+$0x60];
	v8 =	vsel vm0, v18, v8  }
0xfc: {  	v16 =	vadd.f32 v23, v16;
	v15 =	vmul.bf16 v20, v15;
	v18 =	vmul.bf16 v19, v21;
	s26 =	sadd.s32 $0x100, s26;
	v19 =	vld [tilespmem:s28+$0x60]  }
0xfd: {  	v22 =	vadd.f32 v22, v27;
	v23 =	vunpack.i.u.bf16.f32 v17;
	v21 =	vadd.f32 v9, v25;
	s28 =	sadd.s32 $0x100, s28;
	v20 =	vld [tilespmem:s26+$0x10]  }
0xfe: {  	v14 =	vadd.f32 v16, v14;
	v16 =	vunpack.i.l.bf16.f32 v15;
	v26 =	vmul.bf16 v26, v10;
	v25 =	vld [tilespmem:s28+$0x10]  }
0xff: {  	v15 =	vunpack.i.u.bf16.f32 v15;
	v12 =	vadd.f32 v21, v12;
	v21 =	vunpack.i.l.bf16.f32 v18;
	v9 =	vld [tilespmem:s26+$0xFFFFFFB0]  }
0x100: {  	v15 =	vadd.f32 v16, v15;
	v16 =	vunpack.i.u.bf16.f32 v26;
	v26 =	vunpack.i.l.bf16.f32 v26;
	v10 =	vld [tilespmem:s26+$0x0]  }
0x101: {  	v22 =	vadd.f32 v22, v11;
	v11 =	vmul.bf16 v24, v28;
	v24 =	vadd.f32 v26, v16;
	v27 =	vld [tilespmem:s26+$0xFFFFFFD0];
	(xrf2) =	vadd.scan.msk.f32 $0xffff, v12  }
0x102: {  	v15 =	vadd.f32 v15, v14;
	v14 =	vunpack.i.u.bf16.f32 v18;
	v13 =	vmul.bf16 v13, v19;
	v26 =	vld [tilespmem:s28+$0xFFFFFFD0]  }
.Ltmp4:
0x103: {  	v18 =	vadd.f32 v21, v14;
	v21 =	vunpack.i.l.bf16.f32 v11;
	v12 =	vld [tilespmem:s26+$0xFFFFFFA0];
	v16 =	vmul.bf16 v20, v25;
	(pc) =	sbr.rel @p1 .LBB2_8-.Ltmp4, $4  }
0x104: {  	v11 =	vunpack.i.u.bf16.f32 v11;
	v19 =	vunpack.i.u.bf16.f32 v13;
	v20 =	vunpack.i.l.bf16.f32 v13;
	v14 =	vld [tilespmem:s26+$0xFFFFFFC0];
	(xrf2) =	vadd.scan.msk.f32 $0xffff, v15  }
0x105: {  	v21 =	vadd.f32 v21, v11;
	v15 =	vld [tilespmem:s28+$0xFFFFFF80];
	v13 =	vunpack.i.u.bf16.f32 v16;
	v25 =	vunpack.i.l.bf16.f32 v16  }
0x106: {  	v17 =	vunpack.i.l.bf16.f32 v17;
	v16 =	vld [tilespmem:s26+$0xFFFFFF90];
	v11 =	vadd.f32 v25, v13;
	v13 =	vadd.f32 v18, v22  }
0x107: {  	v17 =	vadd.f32 v17, v23;
	v21 =	vadd.f32 v24, v21;
	v18 =	vld [tilespmem:s28+$0xFFFFFF90];
	v22 =	vmul.bf16 v27, v26  }
0x108: {  	v23 =	vld [tilespmem:s26+$0xFFFFFF80]  }
0x109: {  	v24 =	vld [tilespmem:s28+$0xFFFFFFC0]  }
0x10a: {  	v25 =	vld [tilespmem:s28+$0xFFFFFFA0]  }
0x10b: {  	v26 =	vld [tilespmem:s26+$0xFFFFFFE0]  }
0x10c: {  	v27 =	vld [tilespmem:s28+$0xFFFFFFE0]  }
0x10d: {  	v28 =	vld [tilespmem:s28+$0x0]  }
0x10e: {  	v43 =	vld [tilespmem:s28+$0xFFFFFFB0]  }
0x10f: {  	v45 =	vld [tilespmem:s26+$0x20]  }
0x110: {  	v46 =	vld [tilespmem:s28+$0x20]  }
0x111: {  	v48 =	vld [tilespmem:s26+$0x70]  }
0x112: {  	v50 =	vld [tilespmem:s28+$0x70]  }
0x113: {  	v57 =	vld [tilespmem:s26+$0x50]  }
0x114: {  	v19 =	vadd.f32 v20, v19;
	v59 =	vld [tilespmem:s28+$0x50]  }
0x115: {  	v29 =	vunpack.i.u.bf16.f32 v22;
	v16 =	vmul.bf16 v16, v18;
	v15 =	vmul.bf16 v23, v15  }
0x116: {  	v44 =	vunpack.i.l.bf16.f32 v22;
	v14 =	vmul.bf16 v14, v24;
	v10 =	vmul.bf16 v10, v28  }
0x117: {  	v19 =	vadd.f32 v19, v21;
	v12 =	vmul.bf16 v12, v25;
	v9 =	vmul.bf16 v9, v43  }
0x118: {  	v22 =	vadd.f32 v44, v29;
	v18 =	vmul.bf16 v45, v46;
	v58 =	vmul.bf16 v26, v27  }
0x119: {  	v51 =	vld [tilespmem:s26+$0x30];
	v17 =	vadd.f32 v17, v19;
	v21 =	vmul.bf16 v48, v50;
	v33 =	vmul.bf16 v57, v59  }
0x11a: {  	v52 =	vld [tilespmem:s28+$0xFFFFFFF0];
	v49 =	vunpack.i.u.bf16.f32 v16;
	v16 =	vunpack.i.l.bf16.f32 v16;
	v47 =	vunpack.i.l.bf16.f32 v15  }
0x11b: {  	v53 =	vld [tilespmem:s26+$0xFFFFFFF0];
	v15 =	vunpack.i.u.bf16.f32 v15;
	v30 =	vunpack.i.u.bf16.f32 v14;
	v14 =	vunpack.i.l.bf16.f32 v14  }
0x11c: {  	v55 =	vld [tilespmem:s28+$0x30];
	v16 =	vadd.f32 v16, v49;
	v54 =	vunpack.i.u.bf16.f32 v10;
	v10 =	vunpack.i.l.bf16.f32 v10  }
0x11d: {  	v61 =	vld [tilespmem:s26+$0x40];
	v56 =	vunpack.i.l.bf16.f32 v12;
	v12 =	vunpack.i.u.bf16.f32 v12;
	v60 =	vunpack.i.u.bf16.f32 v9  }
0x11e: {  	v63 =	vld [tilespmem:s28+$0x40];
	v62 =	vunpack.i.l.bf16.f32 v58;
	v23 =	vunpack.i.u.bf16.f32 v58;
	v9 =	vunpack.i.l.bf16.f32 v9  }
0x11f: {  	v31 =	vld [tilespmem:s28+$0x60];
	v32 =	vunpack.i.u.bf16.f32 v21;
	v15 =	vadd.f32 v47, v15;
	v14 =	vadd.f32 v14, v30  }
0x120: {  	v28 =	vld [tilespmem:s26+$0x60];
	v36 =	vunpack.i.u.bf16.f32 v33;
	v10 =	vadd.f32 v10, v54;
	v12 =	vadd.f32 v56, v12  }
0x121: {  	v23 =	vadd.f32 v62, v23;
	v30 =	vunpack.i.u.bf16.f32 v18;
	v18 =	vunpack.i.l.bf16.f32 v18  }
0x122: {  	v37 =	vunpack.i.l.bf16.f32 v33;
	v9 =	vadd.f32 v9, v60;
	v18 =	vadd.f32 v18, v30  }
0x123: {  	v15 =	vadd.f32 v16, v15;
	v14 =	vadd.f32 v22, v14;
	v16 =	vmul.bf16 v53, v52  }
0x124: {  	v10 =	vadd.f32 v11, v10;
	v22 =	vmul.bf16 v51, v55;
	v11 =	vmul.bf16 v61, v63  }
0x125: {  	v20 =	vmul.bf16 v28, v31;
	v12 =	vadd.f32 v12, v15;
	v14 =	vadd.f32 v23, v14  }
0x126: {  	v34 =	vunpack.i.l.bf16.f32 v16;
	v35 =	vunpack.i.u.bf16.f32 v16;
	v38 =	vunpack.i.l.bf16.f32 v11  }
0x127: {  	v11 =	vunpack.i.u.bf16.f32 v11;
	v39 =	vunpack.i.l.bf16.f32 v22;
	v15 =	vadd.f32 v37, v36  }
0x128: {  	v10 =	vadd.f32 v18, v10;
	v40 =	vunpack.i.u.bf16.f32 v20;
	v11 =	vadd.f32 v38, v11  }
0x129: {  	v41 =	vunpack.i.l.bf16.f32 v20;
	v9 =	vadd.f32 v9, v12;
	v12 =	vadd.f32 v34, v35  }
0x12a: {  	v42 =	vunpack.i.u.bf16.f32 v22;
	v43 =	vadd.f32 v41, v40;
	v11 =	vadd.f32 v15, v11  }
0x12b: {  	(xrf2) =	vadd.scan.msk.f32 $0xffff, v13;
	v45 =	vunpack.i.l.bf16.f32 v21;
	v44 =	vadd.f32 v39, v42;
	v12 =	vadd.f32 v12, v14  }
0x12c: {  	(xrf2) =	vadd.scan.msk.f32 $0xffff, v17;
	v14 =	vadd.f32 v45, v32;
	v11 =	vadd.f32 v43, v11  }
0x12d: {  	v46 =	vadd.f32 v44, v10;
	(xrf2) =	vadd.scan.msk.f32 $0xffff, v9  }
0x12e: {  	(xrf2) =	vadd.scan.msk.f32 $0xffff, v12;
	v47 =	vadd.f32 v14, v11  }
0x12f: {  	(xrf2) =	vadd.scan.msk.f32 $0xffff, v46  }
0x130: {  	(xrf2) =	vadd.scan.msk.f32 $0xffff, v47;
	_ =	sdelay $0x2  }
0x131: {  	v48, _, _ =	vpop (xrf2)  }
0x132: {  	v50 =	vmov s29;
	v49, _, _ =	vpop (xrf2);
	v9 =	vbroadcast v48, $0xF  }
0x133: {  	vm0 =	veq.s32 v7, v0;
	vm1 =	veq.s32 v50, v0;
	v51, _, _ =	vpop (xrf2);
	v52 =	vbroadcast v49, $0xF  }
0x134: {  	vm11 =	veq.s32 v2, v0;
	v2 =	vbroadcast v51, $0xF;
	v53, _, _ =	vpop (xrf2);
	v8 =	vsel vm1, v9, v8  }
0x135: {  	vm2 =	veq.s32 v5, v0;
	v56 =	vbroadcast v53, $0xF;
	v55 =	vsel vm11, v52, v8;
	v54, _, _ =	vpop (xrf2)  }
0x136: {  	s0 =	sshll.u32 s22, $0x4;
	s22 =	sadd.s32 $0x1, s22;
	v59 =	vmov s25;
	v2 =	vsel vm2, v2, v55;
	v58 =	vbroadcast v54, $0xF;
	v57, _, _ =	vpop (xrf2)  }
0x137: {  	p1 =	sne.s32 s22, $0x5;
	vm12 =	veq.s32 v59, v0;
	v2 =	vsel vm0, v56, v2;
	v60 =	vbroadcast v57, $0xF;
	v61, _, _ =	vpop (xrf2)  }
.Ltmp5:
0x138: {  	vm13 =	veq.s32 v4, v0;
	v2 =	vsel vm12, v58, v2;
	v62 =	vbroadcast v61, $0xF;
	v63, _, _ =	vpop (xrf2);
	(pc) =	sbr.rel @p1 .LBB2_7-.Ltmp5, $4  }
0x139: {  	vm14 =	veq.s32 v3, v0;
	v2 =	vsel vm13, v60, v2;
	v3 =	vbroadcast v63, $0xF  }
0x13a: {  	vm15 =	veq.s32 v6, v0;
	v2 =	vsel vm14, v62, v2  }
0x13b: {  	s0 =	sand.u32 $0x3FFFFFF0, s0;
	v2 =	vsel vm15, v3, v2  }
0x13c: {  	s23 =	sadd.s32 $0x400, s23;
	s24 =	sadd.s32 $0x400, s24;
	[tilespmem:v1+s0+$0x0 ss:$0x1] =	vst.idx.msk $0xffff, v2  }
.Ltmp6:
0x13d: {  	(pc) =	sbr.rel @p0 .LBB2_12-.Ltmp6, $1  }
0x13e: {  	_ =	sdelay $0x3  }
0x13f: {  	s0 =	smul.u32 $0xA0, s21  }
.Ltmp7:
0x140: {  	_ = 	snop;
	(pc) =	sbr.rel .LBB2_2-.Ltmp7, $4  }
0x141: {  	s1 =	sadd.s32 $0xF0, s0  }
0x142: {  	[tilespmem:s14], [sflag:$0x2] =	stream.indirect.gather [hbm4b:s3+s11], $0x40, s1, s11, $0xb8;
	[tilespmem:$0x13A60] =	vst v63  }
0x143: {  	s21 =	sadd.s32 $0x1, s21;
	s0 =	sadd.s32 $0x4F10, s0  }
0x144: {  	[tilespmem:s16], [sflag:$0x2] =	stream.indirect.gather [hbm4b:s4+s11], $0x40, s0, s11, $0xb8;
	[tilespmem:$0x13A60] =	vst v63  }
.LBB2_13:
0x145: {  	_ =	sfence.sel $0x180000  }
0x146: {  	[bflag:$0x0] =	sbarrier.arrive $0xFFFF  }
0x147: {  	_ =	strace $0x90000047  }
0x148: {  	s0 =	stileid.u32;
	[bflag:$0x2] =	sbarrier.arrive $0xFFFF  }
0x149: {  	p0 =	sne.s32 s0, $0x0;
	s0 =	rddreg [dreg:$0x1]  }
0x14a: {  	s0 =	sadd.s32 @!p0 $0x100000, s0  }
0x14b: {  	[sflag:s0] =	ssyncadd.tile.s32 @!p0 $0x1;
	_ =	shalt  }
.Lfunc_end2:
_tile_overlayer_lowered:
.L_overlay_start_2:
0x14c: {  	(tag) =	ssettag $0x2  }
0x14d: {  	s0 =	rddreg [dreg:$0x0];
	s2 =	stileid.u32  }
0x14e: {  	s1 =	rddreg [dreg:$0x1];
	p0 =	sne.s32 s2, $0x0  }
0x14f: {  	s3 =	rddreg [dreg:$0x2];
	[bflag:$0x3] =	sbarrier.arrive $0xFFFF;
	s2 =	simm.s32 @!p0 $0x1C03  }
0x150: {  	[timem:s3], [sflag:s2] =	dma.local @!p0 [hbm:s0], s1  }
0x151: {  	s0 =	simm.s32 @!p0 $0x3  }
0x152: {  	_ =	swait.ge @!p0 [sflag:s0], s1  }
0x153: {  	s1 =	ssub.s32 @!p0 $0x0, s1;
	[sflag:s0] =	ssyncset.done @!p0 $0x0  }
0x154: {  	[sflag:s0] =	ssyncadd.s32 @!p0 s1  }
0x155: {  	[bflag:$0x3] =	sbarrier.arrive $0xFFFF  }
0x156: {  	_ =	shalt  }

</sc_bundles>
